<compile_context>
chip_gen: v7x
topology: tpu7x:2x2x1
jax: 0.10.2.dev20260603
libtpu: 0.0.44.dev20260713+nightly
codegen_flags: <defaults>
</compile_context>

<pallas_src>
import functools

import jax
import jax.numpy as jnp
from jax import lax
from jax.experimental import pallas as pl
from jax.experimental.pallas import tpu as pltpu
from jax.experimental.pallas import tpu_sc as plsc

VOCAB = 1000000
DIM = 64
BATCH = 4096
HIST = 200

NC = 2
NS = 16
NW = NC * NS
DOCS_PER_W = BATCH // NW
HALF = HIST // 2
CHUNK_DOCS = 2
N_CHUNKS = DOCS_PER_W // CHUNK_DOCS
ROWS_PER_CHUNK = CHUNK_DOCS * HIST
GATHERS_PER_CHUNK = CHUNK_DOCS * 2
UNROLL = 4

@functools.cache
def _build():
  mesh = plsc.VectorSubcoreMesh(core_axis_name="c", subcore_axis_name="s")

  @functools.partial(
      pl.kernel,
      mesh=mesh,
      compiler_params=pltpu.CompilerParams(use_tc_tiling_on_sc=False),
      out_type=jax.ShapeDtypeStruct((BATCH, 4 * DIM), jnp.float32),
      scratch_types=[
          pltpu.VMEM((DOCS_PER_W * 2, HALF), jnp.int32),
          pltpu.VMEM((2, ROWS_PER_CHUNK, DIM), jnp.float32),
          pltpu.VMEM((DOCS_PER_W, 4 * DIM), jnp.float32),
          pltpu.SemaphoreType.DMA,
          pltpu.SemaphoreType.DMA,
      ],
  )
  def _sc_embed_pool(table_h, idx_h, out_h, idx_v, rows_v, out_v, sem0, sem1):
    wid = lax.axis_index("s") * NC + lax.axis_index("c")

    pltpu.sync_copy(idx_h.at[pl.ds(wid * (DOCS_PER_W * 2), DOCS_PER_W * 2)],
                    idx_v)

    def issue(c, b):
        sem = sem0 if b == 0 else sem1
        for k in range(GATHERS_PER_CHUNK):
            pltpu.async_copy(
                table_h.at[idx_v.at[c * GATHERS_PER_CHUNK + k]],
                rows_v.at[b, pl.ds(k * HALF, HALF)],
                sem,
            )

    def drain(c, b):
        sem = sem0 if b == 0 else sem1
        for k in range(GATHERS_PER_CHUNK):
            pltpu.make_async_copy(
                table_h.at[idx_v.at[c * GATHERS_PER_CHUNK + k]],
                rows_v.at[b, pl.ds(k * HALF, HALF)],
                sem,
            ).wait()

    def reduce_doc(c, b, j):
        rb = rows_v.at[b]
        base = j * HIST

        def body(i, carry):
            mx, mn, sm = carry
            for u in range(UNROLL):
                r = base + i * UNROLL + u
                for k in range(4):
                    v = rb[r, pl.ds(k * 16, 16)]
                    mx = tuple(jnp.maximum(mx[q], v) if q == k else mx[q]
                               for q in range(4))
                    mn = tuple(jnp.minimum(mn[q], v) if q == k else mn[q]
                               for q in range(4))
                    sm = tuple(sm[q] + v if q == k else sm[q]
                               for q in range(4))
            return (mx, mn, sm)

        neg = jnp.full((16,), -jnp.inf, jnp.float32)
        pos = jnp.full((16,), jnp.inf, jnp.float32)
        zero = jnp.zeros((16,), jnp.float32)
        mx, mn, sm = lax.fori_loop(
            0, HIST // UNROLL, body,
            ((neg,) * 4, (pos,) * 4, (zero,) * 4))

        doc = c * CHUNK_DOCS + j
        inv = jnp.float32(1.0 / HIST)
        for k in range(4):
            out_v[doc, pl.ds(k * 16, 16)] = mx[k]
            out_v[doc, pl.ds(DIM + k * 16, 16)] = mn[k]
            out_v[doc, pl.ds(2 * DIM + k * 16, 16)] = sm[k] * inv
            out_v[doc, pl.ds(3 * DIM + k * 16, 16)] = sm[k]

    issue(0, 0)
    issue(1, 1)

    def outer(g, carry):
        for b in range(2):
            c = 2 * g + b
            drain(c, b)
            reduce_doc(c, b, 0)
            reduce_doc(c, b, 1)

            @pl.when(g < (N_CHUNKS // 2 - 1))
            def _():
                issue(c + 2, b)
        return carry

    lax.fori_loop(0, N_CHUNKS // 2, outer, 0)

    pltpu.sync_copy(out_v, out_h.at[pl.ds(wid * DOCS_PER_W, DOCS_PER_W)])

  return _sc_embed_pool


def kernel(table, indices):
    idx = indices.astype(jnp.int32).reshape(BATCH * 2, HALF)
    return _build()(table, idx)

# --- scband reference (transcript-rebuilt; emitter-appended) ---
"""Pipeline reference for scband-embedding-net-72043781423668 (READ-ONLY COPY).

The authoritative reference and input builder live on the scoring server;
editing this copy changes nothing except your own understanding.
"""

import jax, jax.numpy as jnp
import numpy as np

VOCAB = 1000000
DIM = 64
BATCH = 4096
HIST = 200

def setup_inputs(seed: int = 0) -> dict:
    key = jax.random.key(seed)
    k_tab, k_idx = jax.random.split(key)
    # Embedding table (materialized parameter; corresponds to the `vectors` dict in the torch module)
    table = jax.random.normal(k_tab, (VOCAB, DIM), dtype=jnp.float32) * 0.02
    # Tokenized documents: batch of BATCH documents, each HIST tokens (vocab ids)
    indices = jax.random.randint(k_idx, (BATCH, HIST), 0, VOCAB, dtype=jnp.int64)
    return {"table": table, "indices": indices}

def reference(table, indices):
    # forward(): gather word vectors for every token of every document
    vecs = jnp.take(table, indices, axis=0)  # [B, L, D]
    # get_batch_extremes(): per-document max / min / mean / sum along token axis, concatenated
    t_max = vecs.max(axis=1)
    t_min = vecs.min(axis=1)
    t_mean = vecs.mean(axis=1)
    t_sum = vecs.sum(axis=1)
    return jnp.concatenate([t_max, t_min, t_mean, t_sum], axis=-1)  # [B, 4*D]

if __name__ == "__main__":
    import jax
    _d = setup_inputs()
    print(jax.jit(kernel)(*tuple(_d.values())))

</pallas_src>

<mosaic_0001>
#map = affine_map<(d0, d1) -> (0, 0)>
module attributes {stable_mosaic.version = 14 : i64} {
  func.func @_sc_embed_pool(%arg0: i32, %arg1: i32, %arg2: memref<1000000x64xf32, #tpu.memory_space<hbm>>, %arg3: memref<8192x100xi32, #tpu.memory_space<hbm>>, %arg4: memref<4096x256xf32, #tpu.memory_space<hbm>>, %arg5: memref<256x100xi32, #tpu.memory_space<vmem>>, %arg6: memref<2x400x64xf32, #tpu.memory_space<vmem>>, %arg7: memref<128x256xf32, #tpu.memory_space<vmem>>, %arg8: memref<!tpu.dma_semaphore, #tpu.memory_space<semaphore_mem>>, %arg9: memref<!tpu.dma_semaphore, #tpu.memory_space<semaphore_mem>>) attributes {dimension_semantics = [#tpu.dimension_semantics<core_parallel>, #tpu.dimension_semantics<subcore_parallel>], iteration_bounds = array<i64: 2, 16>, scalar_prefetch = 0 : i64, scratch_operands = 5 : i64, tpu.core_type = #tpu.core_type<sc_vector_subcore>, window_params = [{transform_indices = #map}, {transform_indices = #map}, {transform_indices = #map}]} {
    %mul3A = arith.constant 2 : i32
    %mul3A_0 = arith.muli %arg1, %mul3A : i32
    %add3A = arith.addi %mul3A_0, %arg0 : i32
    %mul3A_1 = arith.constant 256 : i32
    %mul3A_2 = arith.muli %add3A, %mul3A_1 : i32
    "tpu.region"() ({
      %run_scoped3A = tpu.sem_alloc : memref<!tpu.dma_semaphore, #tpu.memory_space<semaphore_mem>>
      %dma_start3A_105 = arith.constant 0 : i32
      %dma_start3A_106 = tpu.memref_slice %arg3[%mul3A_2, %dma_start3A_105] : memref<8192x100xi32, #tpu.memory_space<hbm>> -> memref<256x100xi32, #tpu.memory_space<hbm>>
      %dma_start3A_107 = arith.constant 0 : i32
      %dma_start3A_108 = tpu.memref_slice %arg3[%mul3A_2, %dma_start3A_107] : memref<8192x100xi32, #tpu.memory_space<hbm>> -> memref<256x100xi32, #tpu.memory_space<hbm>>
      tpu.enqueue_dma source(%dma_start3A_108 : memref<256x100xi32, #tpu.memory_space<hbm>>) target(%arg5 : memref<256x100xi32, #tpu.memory_space<vmem>>) target_semaphore(%run_scoped3A : memref<!tpu.dma_semaphore, #tpu.memory_space<semaphore_mem>>)
      %dma_wait3A = arith.constant 0 : i32
      %dma_wait3A_109 = tpu.memref_slice %arg3[%mul3A_2, %dma_wait3A] : memref<8192x100xi32, #tpu.memory_space<hbm>> -> memref<256x100xi32, #tpu.memory_space<hbm>>
      %dma_wait3A_110 = arith.constant 0 : i32
      %dma_wait3A_111 = tpu.memref_slice %arg3[%mul3A_2, %dma_wait3A_110] : memref<8192x100xi32, #tpu.memory_space<hbm>> -> memref<256x100xi32, #tpu.memory_space<hbm>>
      tpu.wait_dma2 semaphore(%run_scoped3A : memref<!tpu.dma_semaphore, #tpu.memory_space<semaphore_mem>>) src(%dma_wait3A_111 : memref<256x100xi32, #tpu.memory_space<hbm>>) dst(%arg5 : memref<256x100xi32, #tpu.memory_space<vmem>>)
      tpu.yield
    }) : () -> ()
    %dma_start3A = arith.constant 0 : i32
    %dma_start3A_3 = arith.constant 0 : i32
    %dma_start3A_4 = arith.constant 0 : i32
    %dma_start3A_5 = arith.constant 0 : i32
    %dma_start3A_6 = tpu.memref_slice %arg6[%dma_start3A_3, %dma_start3A_4, %dma_start3A_5] : memref<2x400x64xf32, #tpu.memory_space<vmem>> -> memref<1x100x64xf32, #tpu.memory_space<vmem>>
    %dma_start3A_7 = tpu.memref_squeeze %dma_start3A_6 : memref<1x100x64xf32, #tpu.memory_space<vmem>> -> memref<100x64xf32, #tpu.memory_space<vmem>>
    %dma_start3A_8 = arith.constant 0 : i32
    %dma_start3A_9 = tpu.memref_slice %arg5[%dma_start3A, %dma_start3A_8] : memref<256x100xi32, #tpu.memory_space<vmem>> -> memref<1x100xi32, #tpu.memory_space<vmem>>
    %dma_start3A_10 = tpu.memref_squeeze %dma_start3A_9 : memref<1x100xi32, #tpu.memory_space<vmem>> -> memref<100xi32, #tpu.memory_space<vmem>>
    %dma_start3A_11 = arith.constant 0 : i32
    %dma_start3A_12 = arith.constant 0 : i32
    %dma_start3A_13 = tpu.memref_slice %arg2[%dma_start3A_11, %dma_start3A_12] : memref<1000000x64xf32, #tpu.memory_space<hbm>> -> memref<1000000x64xf32, #tpu.memory_space<hbm>>
    tpu.enqueue_indirect_dma source(%dma_start3A_13 : memref<1000000x64xf32, #tpu.memory_space<hbm>>) target(%dma_start3A_7 : memref<100x64xf32, #tpu.memory_space<vmem>>) offsets(%dma_start3A_10 : memref<100xi32, #tpu.memory_space<vmem>>) semaphore(%arg8 : memref<!tpu.dma_semaphore, #tpu.memory_space<semaphore_mem>>)
    %dma_start3A_14 = arith.constant 1 : i32
    %dma_start3A_15 = arith.constant 0 : i32
    %dma_start3A_16 = arith.constant 100 : i32
    %dma_start3A_17 = arith.constant 0 : i32
    %dma_start3A_18 = tpu.memref_slice %arg6[%dma_start3A_15, %dma_start3A_16, %dma_start3A_17] : memref<2x400x64xf32, #tpu.memory_space<vmem>> -> memref<1x100x64xf32, #tpu.memory_space<vmem>>
    %dma_start3A_19 = tpu.memref_squeeze %dma_start3A_18 : memref<1x100x64xf32, #tpu.memory_space<vmem>> -> memref<100x64xf32, #tpu.memory_space<vmem>>
    %dma_start3A_20 = arith.constant 0 : i32
    %dma_start3A_21 = tpu.memref_slice %arg5[%dma_start3A_14, %dma_start3A_20] : memref<256x100xi32, #tpu.memory_space<vmem>> -> memref<1x100xi32, #tpu.memory_space<vmem>>
    %dma_start3A_22 = tpu.memref_squeeze %dma_start3A_21 : memref<1x100xi32, #tpu.memory_space<vmem>> -> memref<100xi32, #tpu.memory_space<vmem>>
    %dma_start3A_23 = arith.constant 0 : i32
    %dma_start3A_24 = arith.constant 0 : i32
    %dma_start3A_25 = tpu.memref_slice %arg2[%dma_start3A_23, %dma_start3A_24] : memref<1000000x64xf32, #tpu.memory_space<hbm>> -> memref<1000000x64xf32, #tpu.memory_space<hbm>>
    tpu.enqueue_indirect_dma source(%dma_start3A_25 : memref<1000000x64xf32, #tpu.memory_space<hbm>>) target(%dma_start3A_19 : memref<100x64xf32, #tpu.memory_space<vmem>>) offsets(%dma_start3A_22 : memref<100xi32, #tpu.memory_space<vmem>>) semaphore(%arg8 : memref<!tpu.dma_semaphore, #tpu.memory_space<semaphore_mem>>)
    %dma_start3A_26 = arith.constant 2 : i32
    %dma_start3A_27 = arith.constant 0 : i32
    %dma_start3A_28 = arith.constant 200 : i32
    %dma_start3A_29 = arith.constant 0 : i32
    %dma_start3A_30 = tpu.memref_slice %arg6[%dma_start3A_27, %dma_start3A_28, %dma_start3A_29] : memref<2x400x64xf32, #tpu.memory_space<vmem>> -> memref<1x100x64xf32, #tpu.memory_space<vmem>>
    %dma_start3A_31 = tpu.memref_squeeze %dma_start3A_30 : memref<1x100x64xf32, #tpu.memory_space<vmem>> -> memref<100x64xf32, #tpu.memory_space<vmem>>
    %dma_start3A_32 = arith.constant 0 : i32
    %dma_start3A_33 = tpu.memref_slice %arg5[%dma_start3A_26, %dma_start3A_32] : memref<256x100xi32, #tpu.memory_space<vmem>> -> memref<1x100xi32, #tpu.memory_space<vmem>>
    %dma_start3A_34 = tpu.memref_squeeze %dma_start3A_33 : memref<1x100xi32, #tpu.memory_space<vmem>> -> memref<100xi32, #tpu.memory_space<vmem>>
    %dma_start3A_35 = arith.constant 0 : i32
    %dma_start3A_36 = arith.constant 0 : i32
    %dma_start3A_37 = tpu.memref_slice %arg2[%dma_start3A_35, %dma_start3A_36] : memref<1000000x64xf32, #tpu.memory_space<hbm>> -> memref<1000000x64xf32, #tpu.memory_space<hbm>>
    tpu.enqueue_indirect_dma source(%dma_start3A_37 : memref<1000000x64xf32, #tpu.memory_space<hbm>>) target(%dma_start3A_31 : memref<100x64xf32, #tpu.memory_space<vmem>>) offsets(%dma_start3A_34 : memref<100xi32, #tpu.memory_space<vmem>>) semaphore(%arg8 : memref<!tpu.dma_semaphore, #tpu.memory_space<semaphore_mem>>)
    %dma_start3A_38 = arith.constant 3 : i32
    %dma_start3A_39 = arith.constant 0 : i32
    %dma_start3A_40 = arith.constant 300 : i32
    %dma_start3A_41 = arith.constant 0 : i32
    %dma_start3A_42 = tpu.memref_slice %arg6[%dma_start3A_39, %dma_start3A_40, %dma_start3A_41] : memref<2x400x64xf32, #tpu.memory_space<vmem>> -> memref<1x100x64xf32, #tpu.memory_space<vmem>>
    %dma_start3A_43 = tpu.memref_squeeze %dma_start3A_42 : memref<1x100x64xf32, #tpu.memory_space<vmem>> -> memref<100x64xf32, #tpu.memory_space<vmem>>
    %dma_start3A_44 = arith.constant 0 : i32
    %dma_start3A_45 = tpu.memref_slice %arg5[%dma_start3A_38, %dma_start3A_44] : memref<256x100xi32, #tpu.memory_space<vmem>> -> memref<1x100xi32, #tpu.memory_space<vmem>>
    %dma_start3A_46 = tpu.memref_squeeze %dma_start3A_45 : memref<1x100xi32, #tpu.memory_space<vmem>> -> memref<100xi32, #tpu.memory_space<vmem>>
    %dma_start3A_47 = arith.constant 0 : i32
    %dma_start3A_48 = arith.constant 0 : i32
    %dma_start3A_49 = tpu.memref_slice %arg2[%dma_start3A_47, %dma_start3A_48] : memref<1000000x64xf32, #tpu.memory_space<hbm>> -> memref<1000000x64xf32, #tpu.memory_space<hbm>>
    tpu.enqueue_indirect_dma source(%dma_start3A_49 : memref<1000000x64xf32, #tpu.memory_space<hbm>>) target(%dma_start3A_43 : memref<100x64xf32, #tpu.memory_space<vmem>>) offsets(%dma_start3A_46 : memref<100xi32, #tpu.memory_space<vmem>>) semaphore(%arg8 : memref<!tpu.dma_semaphore, #tpu.memory_space<semaphore_mem>>)
    %dma_start3A_50 = arith.constant 4 : i32
    %dma_start3A_51 = arith.constant 1 : i32
    %dma_start3A_52 = arith.constant 0 : i32
    %dma_start3A_53 = arith.constant 0 : i32
    %dma_start3A_54 = tpu.memref_slice %arg6[%dma_start3A_51, %dma_start3A_52, %dma_start3A_53] : memref<2x400x64xf32, #tpu.memory_space<vmem>> -> memref<1x100x64xf32, #tpu.memory_space<vmem>>
    %dma_start3A_55 = tpu.memref_squeeze %dma_start3A_54 : memref<1x100x64xf32, #tpu.memory_space<vmem>> -> memref<100x64xf32, #tpu.memory_space<vmem>>
    %dma_start3A_56 = arith.constant 0 : i32
    %dma_start3A_57 = tpu.memref_slice %arg5[%dma_start3A_50, %dma_start3A_56] : memref<256x100xi32, #tpu.memory_space<vmem>> -> memref<1x100xi32, #tpu.memory_space<vmem>>
    %dma_start3A_58 = tpu.memref_squeeze %dma_start3A_57 : memref<1x100xi32, #tpu.memory_space<vmem>> -> memref<100xi32, #tpu.memory_space<vmem>>
    %dma_start3A_59 = arith.constant 0 : i32
    %dma_start3A_60 = arith.constant 0 : i32
    %dma_start3A_61 = tpu.memref_slice %arg2[%dma_start3A_59, %dma_start3A_60] : memref<1000000x64xf32, #tpu.memory_space<hbm>> -> memref<1000000x64xf32, #tpu.memory_space<hbm>>
    tpu.enqueue_indirect_dma source(%dma_start3A_61 : memref<1000000x64xf32, #tpu.memory_space<hbm>>) target(%dma_start3A_55 : memref<100x64xf32, #tpu.memory_space<vmem>>) offsets(%dma_start3A_58 : memref<100xi32, #tpu.memory_space<vmem>>) semaphore(%arg9 : memref<!tpu.dma_semaphore, #tpu.memory_space<semaphore_mem>>)
    %dma_start3A_62 = arith.constant 5 : i32
    %dma_start3A_63 = arith.constant 1 : i32
    %dma_start3A_64 = arith.constant 100 : i32
    %dma_start3A_65 = arith.constant 0 : i32
    %dma_start3A_66 = tpu.memref_slice %arg6[%dma_start3A_63, %dma_start3A_64, %dma_start3A_65] : memref<2x400x64xf32, #tpu.memory_space<vmem>> -> memref<1x100x64xf32, #tpu.memory_space<vmem>>
    %dma_start3A_67 = tpu.memref_squeeze %dma_start3A_66 : memref<1x100x64xf32, #tpu.memory_space<vmem>> -> memref<100x64xf32, #tpu.memory_space<vmem>>
    %dma_start3A_68 = arith.constant 0 : i32
    %dma_start3A_69 = tpu.memref_slice %arg5[%dma_start3A_62, %dma_start3A_68] : memref<256x100xi32, #tpu.memory_space<vmem>> -> memref<1x100xi32, #tpu.memory_space<vmem>>
    %dma_start3A_70 = tpu.memref_squeeze %dma_start3A_69 : memref<1x100xi32, #tpu.memory_space<vmem>> -> memref<100xi32, #tpu.memory_space<vmem>>
    %dma_start3A_71 = arith.constant 0 : i32
    %dma_start3A_72 = arith.constant 0 : i32
    %dma_start3A_73 = tpu.memref_slice %arg2[%dma_start3A_71, %dma_start3A_72] : memref<1000000x64xf32, #tpu.memory_space<hbm>> -> memref<1000000x64xf32, #tpu.memory_space<hbm>>
    tpu.enqueue_indirect_dma source(%dma_start3A_73 : memref<1000000x64xf32, #tpu.memory_space<hbm>>) target(%dma_start3A_67 : memref<100x64xf32, #tpu.memory_space<vmem>>) offsets(%dma_start3A_70 : memref<100xi32, #tpu.memory_space<vmem>>) semaphore(%arg9 : memref<!tpu.dma_semaphore, #tpu.memory_space<semaphore_mem>>)
    %dma_start3A_74 = arith.constant 6 : i32
    %dma_start3A_75 = arith.constant 1 : i32
    %dma_start3A_76 = arith.constant 200 : i32
    %dma_start3A_77 = arith.constant 0 : i32
    %dma_start3A_78 = tpu.memref_slice %arg6[%dma_start3A_75, %dma_start3A_76, %dma_start3A_77] : memref<2x400x64xf32, #tpu.memory_space<vmem>> -> memref<1x100x64xf32, #tpu.memory_space<vmem>>
    %dma_start3A_79 = tpu.memref_squeeze %dma_start3A_78 : memref<1x100x64xf32, #tpu.memory_space<vmem>> -> memref<100x64xf32, #tpu.memory_space<vmem>>
    %dma_start3A_80 = arith.constant 0 : i32
    %dma_start3A_81 = tpu.memref_slice %arg5[%dma_start3A_74, %dma_start3A_80] : memref<256x100xi32, #tpu.memory_space<vmem>> -> memref<1x100xi32, #tpu.memory_space<vmem>>
    %dma_start3A_82 = tpu.memref_squeeze %dma_start3A_81 : memref<1x100xi32, #tpu.memory_space<vmem>> -> memref<100xi32, #tpu.memory_space<vmem>>
    %dma_start3A_83 = arith.constant 0 : i32
    %dma_start3A_84 = arith.constant 0 : i32
    %dma_start3A_85 = tpu.memref_slice %arg2[%dma_start3A_83, %dma_start3A_84] : memref<1000000x64xf32, #tpu.memory_space<hbm>> -> memref<1000000x64xf32, #tpu.memory_space<hbm>>
    tpu.enqueue_indirect_dma source(%dma_start3A_85 : memref<1000000x64xf32, #tpu.memory_space<hbm>>) target(%dma_start3A_79 : memref<100x64xf32, #tpu.memory_space<vmem>>) offsets(%dma_start3A_82 : memref<100xi32, #tpu.memory_space<vmem>>) semaphore(%arg9 : memref<!tpu.dma_semaphore, #tpu.memory_space<semaphore_mem>>)
    %dma_start3A_86 = arith.constant 7 : i32
    %dma_start3A_87 = arith.constant 1 : i32
    %dma_start3A_88 = arith.constant 300 : i32
    %dma_start3A_89 = arith.constant 0 : i32
    %dma_start3A_90 = tpu.memref_slice %arg6[%dma_start3A_87, %dma_start3A_88, %dma_start3A_89] : memref<2x400x64xf32, #tpu.memory_space<vmem>> -> memref<1x100x64xf32, #tpu.memory_space<vmem>>
    %dma_start3A_91 = tpu.memref_squeeze %dma_start3A_90 : memref<1x100x64xf32, #tpu.memory_space<vmem>> -> memref<100x64xf32, #tpu.memory_space<vmem>>
    %dma_start3A_92 = arith.constant 0 : i32
    %dma_start3A_93 = tpu.memref_slice %arg5[%dma_start3A_86, %dma_start3A_92] : memref<256x100xi32, #tpu.memory_space<vmem>> -> memref<1x100xi32, #tpu.memory_space<vmem>>
    %dma_start3A_94 = tpu.memref_squeeze %dma_start3A_93 : memref<1x100xi32, #tpu.memory_space<vmem>> -> memref<100xi32, #tpu.memory_space<vmem>>
    %dma_start3A_95 = arith.constant 0 : i32
    %dma_start3A_96 = arith.constant 0 : i32
    %dma_start3A_97 = tpu.memref_slice %arg2[%dma_start3A_95, %dma_start3A_96] : memref<1000000x64xf32, #tpu.memory_space<hbm>> -> memref<1000000x64xf32, #tpu.memory_space<hbm>>
    tpu.enqueue_indirect_dma source(%dma_start3A_97 : memref<1000000x64xf32, #tpu.memory_space<hbm>>) target(%dma_start3A_91 : memref<100x64xf32, #tpu.memory_space<vmem>>) offsets(%dma_start3A_94 : memref<100xi32, #tpu.memory_space<vmem>>) semaphore(%arg9 : memref<!tpu.dma_semaphore, #tpu.memory_space<semaphore_mem>>)
    %scan3A = arith.constant 0 : i32
    %scan3A_98 = arith.constant 0 : i32
    %scan3A_99 = arith.constant 32 : i32
    %scan3A_100 = arith.addi %scan3A_98, %scan3A_99 : i32
    %scan3A_101 = arith.constant 1 : i32
    scf.for %scan3A_105 = %scan3A_98 to %scan3A_100 step %scan3A_101  : i32 {
      %mul3A_106 = arith.constant 2 : i32
      %mul3A_107 = arith.muli %mul3A_106, %scan3A_105 : i32
      %add3A_108 = arith.constant 0 : i32
      %add3A_109 = arith.addi %mul3A_107, %add3A_108 : i32
      %mul3A_110 = arith.constant 4 : i32
      %mul3A_111 = arith.muli %add3A_109, %mul3A_110 : i32
      %add3A_112 = arith.constant 0 : i32
      %add3A_113 = arith.addi %mul3A_111, %add3A_112 : i32
      %dma_wait3A = arith.constant 0 : i32
      %dma_wait3A_114 = arith.constant 0 : i32
      %dma_wait3A_115 = arith.constant 0 : i32
      %dma_wait3A_116 = tpu.memref_slice %arg6[%dma_wait3A, %dma_wait3A_114, %dma_wait3A_115] : memref<2x400x64xf32, #tpu.memory_space<vmem>> -> memref<1x100x64xf32, #tpu.memory_space<vmem>>
      %dma_wait3A_117 = tpu.memref_squeeze %dma_wait3A_116 : memref<1x100x64xf32, #tpu.memory_space<vmem>> -> memref<100x64xf32, #tpu.memory_space<vmem>>
      %dma_wait3A_118 = arith.constant 0 : i32
      %dma_wait3A_119 = tpu.memref_slice %arg5[%add3A_113, %dma_wait3A_118] : memref<256x100xi32, #tpu.memory_space<vmem>> -> memref<1x100xi32, #tpu.memory_space<vmem>>
      %dma_wait3A_120 = tpu.memref_squeeze %dma_wait3A_119 : memref<1x100xi32, #tpu.memory_space<vmem>> -> memref<100xi32, #tpu.memory_space<vmem>>
      %dma_wait3A_121 = arith.constant 0 : i32
      %dma_wait3A_122 = arith.constant 0 : i32
      %dma_wait3A_123 = tpu.memref_slice %arg2[%dma_wait3A_121, %dma_wait3A_122] : memref<1000000x64xf32, #tpu.memory_space<hbm>> -> memref<1000000x64xf32, #tpu.memory_space<hbm>>
      tpu.wait_indirect_dma semaphore(%arg8 : memref<!tpu.dma_semaphore, #tpu.memory_space<semaphore_mem>>) src(%dma_wait3A_123 : memref<1000000x64xf32, #tpu.memory_space<hbm>>) dst(%dma_wait3A_117 : memref<100x64xf32, #tpu.memory_space<vmem>>)
      %mul3A_124 = arith.constant 4 : i32
      %mul3A_125 = arith.muli %add3A_109, %mul3A_124 : i32
      %add3A_126 = arith.constant 1 : i32
      %add3A_127 = arith.addi %mul3A_125, %add3A_126 : i32
      %dma_wait3A_128 = arith.constant 0 : i32
      %dma_wait3A_129 = arith.constant 100 : i32
      %dma_wait3A_130 = arith.constant 0 : i32
      %dma_wait3A_131 = tpu.memref_slice %arg6[%dma_wait3A_128, %dma_wait3A_129, %dma_wait3A_130] : memref<2x400x64xf32, #tpu.memory_space<vmem>> -> memref<1x100x64xf32, #tpu.memory_space<vmem>>
      %dma_wait3A_132 = tpu.memref_squeeze %dma_wait3A_131 : memref<1x100x64xf32, #tpu.memory_space<vmem>> -> memref<100x64xf32, #tpu.memory_space<vmem>>
      %dma_wait3A_133 = arith.constant 0 : i32
      %dma_wait3A_134 = tpu.memref_slice %arg5[%add3A_127, %dma_wait3A_133] : memref<256x100xi32, #tpu.memory_space<vmem>> -> memref<1x100xi32, #tpu.memory_space<vmem>>
      %dma_wait3A_135 = tpu.memref_squeeze %dma_wait3A_134 : memref<1x100xi32, #tpu.memory_space<vmem>> -> memref<100xi32, #tpu.memory_space<vmem>>
      %dma_wait3A_136 = arith.constant 0 : i32
      %dma_wait3A_137 = arith.constant 0 : i32
      %dma_wait3A_138 = tpu.memref_slice %arg2[%dma_wait3A_136, %dma_wait3A_137] : memref<1000000x64xf32, #tpu.memory_space<hbm>> -> memref<1000000x64xf32, #tpu.memory_space<hbm>>
      tpu.wait_indirect_dma semaphore(%arg8 : memref<!tpu.dma_semaphore, #tpu.memory_space<semaphore_mem>>) src(%dma_wait3A_138 : memref<1000000x64xf32, #tpu.memory_space<hbm>>) dst(%dma_wait3A_132 : memref<100x64xf32, #tpu.memory_space<vmem>>)
      %mul3A_139 = arith.constant 4 : i32
      %mul3A_140 = arith.muli %add3A_109, %mul3A_139 : i32
      %add3A_141 = arith.constant 2 : i32
      %add3A_142 = arith.addi %mul3A_140, %add3A_141 : i32
      %dma_wait3A_143 = arith.constant 0 : i32
      %dma_wait3A_144 = arith.constant 200 : i32
      %dma_wait3A_145 = arith.constant 0 : i32
      %dma_wait3A_146 = tpu.memref_slice %arg6[%dma_wait3A_143, %dma_wait3A_144, %dma_wait3A_145] : memref<2x400x64xf32, #tpu.memory_space<vmem>> -> memref<1x100x64xf32, #tpu.memory_space<vmem>>
      %dma_wait3A_147 = tpu.memref_squeeze %dma_wait3A_146 : memref<1x100x64xf32, #tpu.memory_space<vmem>> -> memref<100x64xf32, #tpu.memory_space<vmem>>
      %dma_wait3A_148 = arith.constant 0 : i32
      %dma_wait3A_149 = tpu.memref_slice %arg5[%add3A_142, %dma_wait3A_148] : memref<256x100xi32, #tpu.memory_space<vmem>> -> memref<1x100xi32, #tpu.memory_space<vmem>>
      %dma_wait3A_150 = tpu.memref_squeeze %dma_wait3A_149 : memref<1x100xi32, #tpu.memory_space<vmem>> -> memref<100xi32, #tpu.memory_space<vmem>>
      %dma_wait3A_151 = arith.constant 0 : i32
      %dma_wait3A_152 = arith.constant 0 : i32
      %dma_wait3A_153 = tpu.memref_slice %arg2[%dma_wait3A_151, %dma_wait3A_152] : memref<1000000x64xf32, #tpu.memory_space<hbm>> -> memref<1000000x64xf32, #tpu.memory_space<hbm>>
      tpu.wait_indirect_dma semaphore(%arg8 : memref<!tpu.dma_semaphore, #tpu.memory_space<semaphore_mem>>) src(%dma_wait3A_153 : memref<1000000x64xf32, #tpu.memory_space<hbm>>) dst(%dma_wait3A_147 : memref<100x64xf32, #tpu.memory_space<vmem>>)
      %mul3A_154 = arith.constant 4 : i32
      %mul3A_155 = arith.muli %add3A_109, %mul3A_154 : i32
      %add3A_156 = arith.constant 3 : i32
      %add3A_157 = arith.addi %mul3A_155, %add3A_156 : i32
      %dma_wait3A_158 = arith.constant 0 : i32
      %dma_wait3A_159 = arith.constant 300 : i32
      %dma_wait3A_160 = arith.constant 0 : i32
      %dma_wait3A_161 = tpu.memref_slice %arg6[%dma_wait3A_158, %dma_wait3A_159, %dma_wait3A_160] : memref<2x400x64xf32, #tpu.memory_space<vmem>> -> memref<1x100x64xf32, #tpu.memory_space<vmem>>
      %dma_wait3A_162 = tpu.memref_squeeze %dma_wait3A_161 : memref<1x100x64xf32, #tpu.memory_space<vmem>> -> memref<100x64xf32, #tpu.memory_space<vmem>>
      %dma_wait3A_163 = arith.constant 0 : i32
      %dma_wait3A_164 = tpu.memref_slice %arg5[%add3A_157, %dma_wait3A_163] : memref<256x100xi32, #tpu.memory_space<vmem>> -> memref<1x100xi32, #tpu.memory_space<vmem>>
      %dma_wait3A_165 = tpu.memref_squeeze %dma_wait3A_164 : memref<1x100xi32, #tpu.memory_space<vmem>> -> memref<100xi32, #tpu.memory_space<vmem>>
      %dma_wait3A_166 = arith.constant 0 : i32
      %dma_wait3A_167 = arith.constant 0 : i32
      %dma_wait3A_168 = tpu.memref_slice %arg2[%dma_wait3A_166, %dma_wait3A_167] : memref<1000000x64xf32, #tpu.memory_space<hbm>> -> memref<1000000x64xf32, #tpu.memory_space<hbm>>
      tpu.wait_indirect_dma semaphore(%arg8 : memref<!tpu.dma_semaphore, #tpu.memory_space<semaphore_mem>>) src(%dma_wait3A_168 : memref<1000000x64xf32, #tpu.memory_space<hbm>>) dst(%dma_wait3A_162 : memref<100x64xf32, #tpu.memory_space<vmem>>)
      %broadcast_in_dim3A = arith.constant 0xFF800000 : f32
      %broadcast_in_dim3A_169 = vector.broadcast %broadcast_in_dim3A : f32 to vector<16xf32>
      %broadcast_in_dim3A_170 = arith.constant 0x7F800000 : f32
      %broadcast_in_dim3A_171 = vector.broadcast %broadcast_in_dim3A_170 : f32 to vector<16xf32>
      %broadcast_in_dim3A_172 = arith.constant 0.000000e+00 : f32
      %broadcast_in_dim3A_173 = vector.broadcast %broadcast_in_dim3A_172 : f32 to vector<16xf32>
      %scan3A_174 = arith.constant 0 : i32
      %scan3A_175 = arith.constant 0 : i32
      %scan3A_176 = arith.constant 50 : i32
      %scan3A_177 = arith.addi %scan3A_175, %scan3A_176 : i32
      %scan3A_178 = arith.constant 1 : i32
      %scan3A_179:12 = scf.for %scan3A_674 = %scan3A_175 to %scan3A_177 step %scan3A_178 iter_args(%scan3A_675 = %broadcast_in_dim3A_169, %scan3A_676 = %broadcast_in_dim3A_169, %scan3A_677 = %broadcast_in_dim3A_169, %scan3A_678 = %broadcast_in_dim3A_169, %scan3A_679 = %broadcast_in_dim3A_171, %scan3A_680 = %broadcast_in_dim3A_171, %scan3A_681 = %broadcast_in_dim3A_171, %scan3A_682 = %broadcast_in_dim3A_171, %scan3A_683 = %broadcast_in_dim3A_173, %scan3A_684 = %broadcast_in_dim3A_173, %scan3A_685 = %broadcast_in_dim3A_173, %scan3A_686 = %broadcast_in_dim3A_173) -> (vector<16xf32>, vector<16xf32>, vector<16xf32>, vector<16xf32>, vector<16xf32>, vector<16xf32>, vector<16xf32>, vector<16xf32>, vector<16xf32>, vector<16xf32>, vector<16xf32>, vector<16xf32>)  : i32 {
        %mul3A_687 = arith.constant 4 : i32
        %mul3A_688 = arith.muli %scan3A_674, %mul3A_687 : i32
        %add3A_689 = arith.constant 0 : i32
        %add3A_690 = arith.addi %add3A_689, %mul3A_688 : i32
        %add3A_691 = arith.constant 0 : i32
        %add3A_692 = arith.addi %add3A_690, %add3A_691 : i32
        %get3A = arith.constant 0 : i32
        %get3A_693 = arith.constant 0 : i32
        %get3A_694 = tpu.memref_slice %arg6[%scan3A_174, %get3A, %get3A_693] : memref<2x400x64xf32, #tpu.memory_space<vmem>> -> memref<1x400x64xf32, #tpu.memory_space<vmem>>
        %get3A_695 = tpu.memref_squeeze %get3A_694 : memref<1x400x64xf32, #tpu.memory_space<vmem>> -> memref<400x64xf32, #tpu.memory_space<vmem>>
        %get3A_696 = arith.index_cast %add3A_692 : i32 to index
        %get3A_697 = arith.constant 0 : index
        %get3A_698 = tpu.vector_load %get3A_695[%get3A_696, %get3A_697] {strides = array<i32>} : memref<400x64xf32, #tpu.memory_space<vmem>>, vector<1x16xf32>,
        %get3A_699 = vector.shape_cast %get3A_698 : vector<1x16xf32> to vector<16xf32>
        %max3A = arith.maximumf %scan3A_675, %get3A_699 : vector<16xf32>
        %min3A = arith.minimumf %scan3A_679, %get3A_699 : vector<16xf32>
        %add3A_700 = arith.addf %scan3A_683, %get3A_699 : vector<16xf32>
        %get3A_701 = arith.constant 0 : i32
        %get3A_702 = arith.constant 0 : i32
        %get3A_703 = tpu.memref_slice %arg6[%scan3A_174, %get3A_701, %get3A_702] : memref<2x400x64xf32, #tpu.memory_space<vmem>> -> memref<1x400x64xf32, #tpu.memory_space<vmem>>
        %get3A_704 = tpu.memref_squeeze %get3A_703 : memref<1x400x64xf32, #tpu.memory_space<vmem>> -> memref<400x64xf32, #tpu.memory_space<vmem>>
        %get3A_705 = arith.index_cast %add3A_692 : i32 to index
        %get3A_706 = arith.constant 16 : index
        %get3A_707 = tpu.vector_load %get3A_704[%get3A_705, %get3A_706] {strides = array<i32>} : memref<400x64xf32, #tpu.memory_space<vmem>>, vector<1x16xf32>,
        %get3A_708 = vector.shape_cast %get3A_707 : vector<1x16xf32> to vector<16xf32>
        %max3A_709 = arith.maximumf %scan3A_676, %get3A_708 : vector<16xf32>
        %min3A_710 = arith.minimumf %scan3A_680, %get3A_708 : vector<16xf32>
        %add3A_711 = arith.addf %scan3A_684, %get3A_708 : vector<16xf32>
        %get3A_712 = arith.constant 0 : i32
        %get3A_713 = arith.constant 0 : i32
        %get3A_714 = tpu.memref_slice %arg6[%scan3A_174, %get3A_712, %get3A_713] : memref<2x400x64xf32, #tpu.memory_space<vmem>> -> memref<1x400x64xf32, #tpu.memory_space<vmem>>
        %get3A_715 = tpu.memref_squeeze %get3A_714 : memref<1x400x64xf32, #tpu.memory_space<vmem>> -> memref<400x64xf32, #tpu.memory_space<vmem>>
        %get3A_716 = arith.index_cast %add3A_692 : i32 to index
        %get3A_717 = arith.constant 32 : index
        %get3A_718 = tpu.vector_load %get3A_715[%get3A_716, %get3A_717] {strides = array<i32>} : memref<400x64xf32, #tpu.memory_space<vmem>>, vector<1x16xf32>,
        %get3A_719 = vector.shape_cast %get3A_718 : vector<1x16xf32> to vector<16xf32>
        %max3A_720 = arith.maximumf %scan3A_677, %get3A_719 : vector<16xf32>
        %min3A_721 = arith.minimumf %scan3A_681, %get3A_719 : vector<16xf32>
        %add3A_722 = arith.addf %scan3A_685, %get3A_719 : vector<16xf32>
        %get3A_723 = arith.constant 0 : i32
        %get3A_724 = arith.constant 0 : i32
        %get3A_725 = tpu.memref_slice %arg6[%scan3A_174, %get3A_723, %get3A_724] : memref<2x400x64xf32, #tpu.memory_space<vmem>> -> memref<1x400x64xf32, #tpu.memory_space<vmem>>
        %get3A_726 = tpu.memref_squeeze %get3A_725 : memref<1x400x64xf32, #tpu.memory_space<vmem>> -> memref<400x64xf32, #tpu.memory_space<vmem>>
        %get3A_727 = arith.index_cast %add3A_692 : i32 to index
        %get3A_728 = arith.constant 48 : index
        %get3A_729 = tpu.vector_load %get3A_726[%get3A_727, %get3A_728] {strides = array<i32>} : memref<400x64xf32, #tpu.memory_space<vmem>>, vector<1x16xf32>,
        %get3A_730 = vector.shape_cast %get3A_729 : vector<1x16xf32> to vector<16xf32>
        %max3A_731 = arith.maximumf %scan3A_678, %get3A_730 : vector<16xf32>
        %min3A_732 = arith.minimumf %scan3A_682, %get3A_730 : vector<16xf32>
        %add3A_733 = arith.addf %scan3A_686, %get3A_730 : vector<16xf32>
        %mul3A_734 = arith.constant 4 : i32
        %mul3A_735 = arith.muli %scan3A_674, %mul3A_734 : i32
        %add3A_736 = arith.constant 0 : i32
        %add3A_737 = arith.addi %add3A_736, %mul3A_735 : i32
        %add3A_738 = arith.constant 1 : i32
        %add3A_739 = arith.addi %add3A_737, %add3A_738 : i32
        %get3A_740 = arith.constant 0 : i32
        %get3A_741 = arith.constant 0 : i32
        %get3A_742 = tpu.memref_slice %arg6[%scan3A_174, %get3A_740, %get3A_741] : memref<2x400x64xf32, #tpu.memory_space<vmem>> -> memref<1x400x64xf32, #tpu.memory_space<vmem>>
        %get3A_743 = tpu.memref_squeeze %get3A_742 : memref<1x400x64xf32, #tpu.memory_space<vmem>> -> memref<400x64xf32, #tpu.memory_space<vmem>>
        %get3A_744 = arith.index_cast %add3A_739 : i32 to index
        %get3A_745 = arith.constant 0 : index
        %get3A_746 = tpu.vector_load %get3A_743[%get3A_744, %get3A_745] {strides = array<i32>} : memref<400x64xf32, #tpu.memory_space<vmem>>, vector<1x16xf32>,
        %get3A_747 = vector.shape_cast %get3A_746 : vector<1x16xf32> to vector<16xf32>
        %max3A_748 = arith.maximumf %max3A, %get3A_747 : vector<16xf32>
        %min3A_749 = arith.minimumf %min3A, %get3A_747 : vector<16xf32>
        %add3A_750 = arith.addf %add3A_700, %get3A_747 : vector<16xf32>
        %get3A_751 = arith.constant 0 : i32
        %get3A_752 = arith.constant 0 : i32
        %get3A_753 = tpu.memref_slice %arg6[%scan3A_174, %get3A_751, %get3A_752] : memref<2x400x64xf32, #tpu.memory_space<vmem>> -> memref<1x400x64xf32, #tpu.memory_space<vmem>>
        %get3A_754 = tpu.memref_squeeze %get3A_753 : memref<1x400x64xf32, #tpu.memory_space<vmem>> -> memref<400x64xf32, #tpu.memory_space<vmem>>
        %get3A_755 = arith.index_cast %add3A_739 : i32 to index
        %get3A_756 = arith.constant 16 : index
        %get3A_757 = tpu.vector_load %get3A_754[%get3A_755, %get3A_756] {strides = array<i32>} : memref<400x64xf32, #tpu.memory_space<vmem>>, vector<1x16xf32>,
        %get3A_758 = vector.shape_cast %get3A_757 : vector<1x16xf32> to vector<16xf32>
        %max3A_759 = arith.maximumf %max3A_709, %get3A_758 : vector<16xf32>
        %min3A_760 = arith.minimumf %min3A_710, %get3A_758 : vector<16xf32>
        %add3A_761 = arith.addf %add3A_711, %get3A_758 : vector<16xf32>
        %get3A_762 = arith.constant 0 : i32
        %get3A_763 = arith.constant 0 : i32
        %get3A_764 = tpu.memref_slice %arg6[%scan3A_174, %get3A_762, %get3A_763] : memref<2x400x64xf32, #tpu.memory_space<vmem>> -> memref<1x400x64xf32, #tpu.memory_space<vmem>>
        %get3A_765 = tpu.memref_squeeze %get3A_764 : memref<1x400x64xf32, #tpu.memory_space<vmem>> -> memref<400x64xf32, #tpu.memory_space<vmem>>
        %get3A_766 = arith.index_cast %add3A_739 : i32 to index
        %get3A_767 = arith.constant 32 : index
        %get3A_768 = tpu.vector_load %get3A_765[%get3A_766, %get3A_767] {strides = array<i32>} : memref<400x64xf32, #tpu.memory_space<vmem>>, vector<1x16xf32>,
        %get3A_769 = vector.shape_cast %get3A_768 : vector<1x16xf32> to vector<16xf32>
        %max3A_770 = arith.maximumf %max3A_720, %get3A_769 : vector<16xf32>
        %min3A_771 = arith.minimumf %min3A_721, %get3A_769 : vector<16xf32>
        %add3A_772 = arith.addf %add3A_722, %get3A_769 : vector<16xf32>
        %get3A_773 = arith.constant 0 : i32
        %get3A_774 = arith.constant 0 : i32
        %get3A_775 = tpu.memref_slice %arg6[%scan3A_174, %get3A_773, %get3A_774] : memref<2x400x64xf32, #tpu.memory_space<vmem>> -> memref<1x400x64xf32, #tpu.memory_space<vmem>>
        %get3A_776 = tpu.memref_squeeze %get3A_775 : memref<1x400x64xf32, #tpu.memory_space<vmem>> -> memref<400x64xf32, #tpu.memory_space<vmem>>
        %get3A_777 = arith.index_cast %add3A_739 : i32 to index
        %get3A_778 = arith.constant 48 : index
        %get3A_779 = tpu.vector_load %get3A_776[%get3A_777, %get3A_778] {strides = array<i32>} : memref<400x64xf32, #tpu.memory_space<vmem>>, vector<1x16xf32>,
        %get3A_780 = vector.shape_cast %get3A_779 : vector<1x16xf32> to vector<16xf32>
        %max3A_781 = arith.maximumf %max3A_731, %get3A_780 : vector<16xf32>
        %min3A_782 = arith.minimumf %min3A_732, %get3A_780 : vector<16xf32>
        %add3A_783 = arith.addf %add3A_733, %get3A_780 : vector<16xf32>
        %mul3A_784 = arith.constant 4 : i32
        %mul3A_785 = arith.muli %scan3A_674, %mul3A_784 : i32
        %add3A_786 = arith.constant 0 : i32
        %add3A_787 = arith.addi %add3A_786, %mul3A_785 : i32
        %add3A_788 = arith.constant 2 : i32
        %add3A_789 = arith.addi %add3A_787, %add3A_788 : i32
        %get3A_790 = arith.constant 0 : i32
        %get3A_791 = arith.constant 0 : i32
        %get3A_792 = tpu.memref_slice %arg6[%scan3A_174, %get3A_790, %get3A_791] : memref<2x400x64xf32, #tpu.memory_space<vmem>> -> memref<1x400x64xf32, #tpu.memory_space<vmem>>
        %get3A_793 = tpu.memref_squeeze %get3A_792 : memref<1x400x64xf32, #tpu.memory_space<vmem>> -> memref<400x64xf32, #tpu.memory_space<vmem>>
        %get3A_794 = arith.index_cast %add3A_789 : i32 to index
        %get3A_795 = arith.constant 0 : index
        %get3A_796 = tpu.vector_load %get3A_793[%get3A_794, %get3A_795] {strides = array<i32>} : memref<400x64xf32, #tpu.memory_space<vmem>>, vector<1x16xf32>,
        %get3A_797 = vector.shape_cast %get3A_796 : vector<1x16xf32> to vector<16xf32>
        %max3A_798 = arith.maximumf %max3A_748, %get3A_797 : vector<16xf32>
        %min3A_799 = arith.minimumf %min3A_749, %get3A_797 : vector<16xf32>
        %add3A_800 = arith.addf %add3A_750, %get3A_797 : vector<16xf32>
        %get3A_801 = arith.constant 0 : i32
        %get3A_802 = arith.constant 0 : i32
        %get3A_803 = tpu.memref_slice %arg6[%scan3A_174, %get3A_801, %get3A_802] : memref<2x400x64xf32, #tpu.memory_space<vmem>> -> memref<1x400x64xf32, #tpu.memory_space<vmem>>
        %get3A_804 = tpu.memref_squeeze %get3A_803 : memref<1x400x64xf32, #tpu.memory_space<vmem>> -> memref<400x64xf32, #tpu.memory_space<vmem>>
        %get3A_805 = arith.index_cast %add3A_789 : i32 to index
        %get3A_806 = arith.constant 16 : index
        %get3A_807 = tpu.vector_load %get3A_804[%get3A_805, %get3A_806] {strides = array<i32>} : memref<400x64xf32, #tpu.memory_space<vmem>>, vector<1x16xf32>,
        %get3A_808 = vector.shape_cast %get3A_807 : vector<1x16xf32> to vector<16xf32>
        %max3A_809 = arith.maximumf %max3A_759, %get3A_808 : vector<16xf32>
        %min3A_810 = arith.minimumf %min3A_760, %get3A_808 : vector<16xf32>
        %add3A_811 = arith.addf %add3A_761, %get3A_808 : vector<16xf32>
        %get3A_812 = arith.constant 0 : i32
        %get3A_813 = arith.constant 0 : i32
        %get3A_814 = tpu.memref_slice %arg6[%scan3A_174, %get3A_812, %get3A_813] : memref<2x400x64xf32, #tpu.memory_space<vmem>> -> memref<1x400x64xf32, #tpu.memory_space<vmem>>
        %get3A_815 = tpu.memref_squeeze %get3A_814 : memref<1x400x64xf32, #tpu.memory_space<vmem>> -> memref<400x64xf32, #tpu.memory_space<vmem>>
        %get3A_816 = arith.index_cast %add3A_789 : i32 to index
        %get3A_817 = arith.constant 32 : index
        %get3A_818 = tpu.vector_load %get3A_815[%get3A_816, %get3A_817] {strides = array<i32>} : memref<400x64xf32, #tpu.memory_space<vmem>>, vector<1x16xf32>,
        %get3A_819 = vector.shape_cast %get3A_818 : vector<1x16xf32> to vector<16xf32>
        %max3A_820 = arith.maximumf %max3A_770, %get3A_819 : vector<16xf32>
        %min3A_821 = arith.minimumf %min3A_771, %get3A_819 : vector<16xf32>
        %add3A_822 = arith.addf %add3A_772, %get3A_819 : vector<16xf32>
        %get3A_823 = arith.constant 0 : i32
        %get3A_824 = arith.constant 0 : i32
        %get3A_825 = tpu.memref_slice %arg6[%scan3A_174, %get3A_823, %get3A_824] : memref<2x400x64xf32, #tpu.memory_space<vmem>> -> memref<1x400x64xf32, #tpu.memory_space<vmem>>
        %get3A_826 = tpu.memref_squeeze %get3A_825 : memref<1x400x64xf32, #tpu.memory_space<vmem>> -> memref<400x64xf32, #tpu.memory_space<vmem>>
        %get3A_827 = arith.index_cast %add3A_789 : i32 to index
        %get3A_828 = arith.constant 48 : index
        %get3A_829 = tpu.vector_load %get3A_826[%get3A_827, %get3A_828] {strides = array<i32>} : memref<400x64xf32, #tpu.memory_space<vmem>>, vector<1x16xf32>,
        %get3A_830 = vector.shape_cast %get3A_829 : vector<1x16xf32> to vector<16xf32>
        %max3A_831 = arith.maximumf %max3A_781, %get3A_830 : vector<16xf32>
        %min3A_832 = arith.minimumf %min3A_782, %get3A_830 : vector<16xf32>
        %add3A_833 = arith.addf %add3A_783, %get3A_830 : vector<16xf32>
        %mul3A_834 = arith.constant 4 : i32
        %mul3A_835 = arith.muli %scan3A_674, %mul3A_834 : i32
        %add3A_836 = arith.constant 0 : i32
        %add3A_837 = arith.addi %add3A_836, %mul3A_835 : i32
        %add3A_838 = arith.constant 3 : i32
        %add3A_839 = arith.addi %add3A_837, %add3A_838 : i32
        %get3A_840 = arith.constant 0 : i32
        %get3A_841 = arith.constant 0 : i32
        %get3A_842 = tpu.memref_slice %arg6[%scan3A_174, %get3A_840, %get3A_841] : memref<2x400x64xf32, #tpu.memory_space<vmem>> -> memref<1x400x64xf32, #tpu.memory_space<vmem>>
        %get3A_843 = tpu.memref_squeeze %get3A_842 : memref<1x400x64xf32, #tpu.memory_space<vmem>> -> memref<400x64xf32, #tpu.memory_space<vmem>>
        %get3A_844 = arith.index_cast %add3A_839 : i32 to index
        %get3A_845 = arith.constant 0 : index
        %get3A_846 = tpu.vector_load %get3A_843[%get3A_844, %get3A_845] {strides = array<i32>} : memref<400x64xf32, #tpu.memory_space<vmem>>, vector<1x16xf32>,
        %get3A_847 = vector.shape_cast %get3A_846 : vector<1x16xf32> to vector<16xf32>
        %max3A_848 = arith.maximumf %max3A_798, %get3A_847 : vector<16xf32>
        %min3A_849 = arith.minimumf %min3A_799, %get3A_847 : vector<16xf32>
        %add3A_850 = arith.addf %add3A_800, %get3A_847 : vector<16xf32>
        %get3A_851 = arith.constant 0 : i32
        %get3A_852 = arith.constant 0 : i32
        %get3A_853 = tpu.memref_slice %arg6[%scan3A_174, %get3A_851, %get3A_852] : memref<2x400x64xf32, #tpu.memory_space<vmem>> -> memref<1x400x64xf32, #tpu.memory_space<vmem>>
        %get3A_854 = tpu.memref_squeeze %get3A_853 : memref<1x400x64xf32, #tpu.memory_space<vmem>> -> memref<400x64xf32, #tpu.memory_space<vmem>>
        %get3A_855 = arith.index_cast %add3A_839 : i32 to index
        %get3A_856 = arith.constant 16 : index
        %get3A_857 = tpu.vector_load %get3A_854[%get3A_855, %get3A_856] {strides = array<i32>} : memref<400x64xf32, #tpu.memory_space<vmem>>, vector<1x16xf32>,
        %get3A_858 = vector.shape_cast %get3A_857 : vector<1x16xf32> to vector<16xf32>
        %max3A_859 = arith.maximumf %max3A_809, %get3A_858 : vector<16xf32>
        %min3A_860 = arith.minimumf %min3A_810, %get3A_858 : vector<16xf32>
        %add3A_861 = arith.addf %add3A_811, %get3A_858 : vector<16xf32>
        %get3A_862 = arith.constant 0 : i32
        %get3A_863 = arith.constant 0 : i32
        %get3A_864 = tpu.memref_slice %arg6[%scan3A_174, %get3A_862, %get3A_863] : memref<2x400x64xf32, #tpu.memory_space<vmem>> -> memref<1x400x64xf32, #tpu.memory_space<vmem>>
        %get3A_865 = tpu.memref_squeeze %get3A_864 : memref<1x400x64xf32, #tpu.memory_space<vmem>> -> memref<400x64xf32, #tpu.memory_space<vmem>>
        %get3A_866 = arith.index_cast %add3A_839 : i32 to index
        %get3A_867 = arith.constant 32 : index
        %get3A_868 = tpu.vector_load %get3A_865[%get3A_866, %get3A_867] {strides = array<i32>} : memref<400x64xf32, #tpu.memory_space<vmem>>, vector<1x16xf32>,
        %get3A_869 = vector.shape_cast %get3A_868 : vector<1x16xf32> to vector<16xf32>
        %max3A_870 = arith.maximumf %max3A_820, %get3A_869 : vector<16xf32>
        %min3A_871 = arith.minimumf %min3A_821, %get3A_869 : vector<16xf32>
        %add3A_872 = arith.addf %add3A_822, %get3A_869 : vector<16xf32>
        %get3A_873 = arith.constant 0 : i32
        %get3A_874 = arith.constant 0 : i32
        %get3A_875 = tpu.memref_slice %arg6[%scan3A_174, %get3A_873, %get3A_874] : memref<2x400x64xf32, #tpu.memory_space<vmem>> -> memref<1x400x64xf32, #tpu.memory_space<vmem>>
        %get3A_876 = tpu.memref_squeeze %get3A_875 : memref<1x400x64xf32, #tpu.memory_space<vmem>> -> memref<400x64xf32, #tpu.memory_space<vmem>>
        %get3A_877 = arith.index_cast %add3A_839 : i32 to index
        %get3A_878 = arith.constant 48 : index
        %get3A_879 = tpu.vector_load %get3A_876[%get3A_877, %get3A_878] {strides = array<i32>} : memref<400x64xf32, #tpu.memory_space<vmem>>, vector<1x16xf32>,
        %get3A_880 = vector.shape_cast %get3A_879 : vector<1x16xf32> to vector<16xf32>
        %max3A_881 = arith.maximumf %max3A_831, %get3A_880 : vector<16xf32>
        %min3A_882 = arith.minimumf %min3A_832, %get3A_880 : vector<16xf32>
        %add3A_883 = arith.addf %add3A_833, %get3A_880 : vector<16xf32>
        scf.yield %max3A_848, %max3A_859, %max3A_870, %max3A_881, %min3A_849, %min3A_860, %min3A_871, %min3A_882, %add3A_850, %add3A_861, %add3A_872, %add3A_883 : vector<16xf32>, vector<16xf32>, vector<16xf32>, vector<16xf32>, vector<16xf32>, vector<16xf32>, vector<16xf32>, vector<16xf32>, vector<16xf32>, vector<16xf32>, vector<16xf32>, vector<16xf32>
      }
      %scan3A_180 = arith.constant 50 : i32
      %mul3A_181 = arith.constant 2 : i32
      %mul3A_182 = arith.muli %add3A_109, %mul3A_181 : i32
      %add3A_183 = arith.constant 0 : i32
      %add3A_184 = arith.addi %mul3A_182, %add3A_183 : i32
      %swap3A = arith.index_cast %add3A_184 : i32 to index
      %swap3A_185 = arith.constant 0 : index
      %swap3A_186 = tpu.vector_load %arg7[%swap3A, %swap3A_185] {strides = array<i32>} : memref<128x256xf32, #tpu.memory_space<vmem>>, vector<1x16xf32>,
      %swap3A_187 = vector.shape_cast %swap3A_186 : vector<1x16xf32> to vector<16xf32>
      %swap3A_188 = vector.shape_cast %scan3A_179#0 : vector<16xf32> to vector<1x16xf32>
      tpu.vector_store %arg7[%swap3A, %swap3A_185], %swap3A_188 {strides = array<i32>} : memref<128x256xf32, #tpu.memory_space<vmem>>, vector<1x16xf32>,
      %swap3A_189 = arith.index_cast %add3A_184 : i32 to index
      %swap3A_190 = arith.constant 64 : index
      %swap3A_191 = tpu.vector_load %arg7[%swap3A_189, %swap3A_190] {strides = array<i32>} : memref<128x256xf32, #tpu.memory_space<vmem>>, vector<1x16xf32>,
      %swap3A_192 = vector.shape_cast %swap3A_191 : vector<1x16xf32> to vector<16xf32>
      %swap3A_193 = vector.shape_cast %scan3A_179#4 : vector<16xf32> to vector<1x16xf32>
      tpu.vector_store %arg7[%swap3A_189, %swap3A_190], %swap3A_193 {strides = array<i32>} : memref<128x256xf32, #tpu.memory_space<vmem>>, vector<1x16xf32>,
      %mul3A_194 = arith.constant 5.000000e-03 : f32
      %mul3A_195 = vector.broadcast %mul3A_194 : f32 to vector<16xf32>
      %mul3A_196 = arith.mulf %scan3A_179#8, %mul3A_195 : vector<16xf32>
      %swap3A_197 = arith.index_cast %add3A_184 : i32 to index
      %swap3A_198 = arith.constant 128 : index
      %swap3A_199 = tpu.vector_load %arg7[%swap3A_197, %swap3A_198] {strides = array<i32>} : memref<128x256xf32, #tpu.memory_space<vmem>>, vector<1x16xf32>,
      %swap3A_200 = vector.shape_cast %swap3A_199 : vector<1x16xf32> to vector<16xf32>
      %swap3A_201 = vector.shape_cast %mul3A_196 : vector<16xf32> to vector<1x16xf32>
      tpu.vector_store %arg7[%swap3A_197, %swap3A_198], %swap3A_201 {strides = array<i32>} : memref<128x256xf32, #tpu.memory_space<vmem>>, vector<1x16xf32>,
      %swap3A_202 = arith.index_cast %add3A_184 : i32 to index
      %swap3A_203 = arith.constant 192 : index
      %swap3A_204 = tpu.vector_load %arg7[%swap3A_202, %swap3A_203] {strides = array<i32>} : memref<128x256xf32, #tpu.memory_space<vmem>>, vector<1x16xf32>,
      %swap3A_205 = vector.shape_cast %swap3A_204 : vector<1x16xf32> to vector<16xf32>
      %swap3A_206 = vector.shape_cast %scan3A_179#8 : vector<16xf32> to vector<1x16xf32>
      tpu.vector_store %arg7[%swap3A_202, %swap3A_203], %swap3A_206 {strides = array<i32>} : memref<128x256xf32, #tpu.memory_space<vmem>>, vector<1x16xf32>,
      %swap3A_207 = arith.index_cast %add3A_184 : i32 to index
      %swap3A_208 = arith.constant 16 : index
      %swap3A_209 = tpu.vector_load %arg7[%swap3A_207, %swap3A_208] {strides = array<i32>} : memref<128x256xf32, #tpu.memory_space<vmem>>, vector<1x16xf32>,
      %swap3A_210 = vector.shape_cast %swap3A_209 : vector<1x16xf32> to vector<16xf32>
      %swap3A_211 = vector.shape_cast %scan3A_179#1 : vector<16xf32> to vector<1x16xf32>
      tpu.vector_store %arg7[%swap3A_207, %swap3A_208], %swap3A_211 {strides = array<i32>} : memref<128x256xf32, #tpu.memory_space<vmem>>, vector<1x16xf32>,
      %swap3A_212 = arith.index_cast %add3A_184 : i32 to index
      %swap3A_213 = arith.constant 80 : index
      %swap3A_214 = tpu.vector_load %arg7[%swap3A_212, %swap3A_213] {strides = array<i32>} : memref<128x256xf32, #tpu.memory_space<vmem>>, vector<1x16xf32>,
      %swap3A_215 = vector.shape_cast %swap3A_214 : vector<1x16xf32> to vector<16xf32>
      %swap3A_216 = vector.shape_cast %scan3A_179#5 : vector<16xf32> to vector<1x16xf32>
      tpu.vector_store %arg7[%swap3A_212, %swap3A_213], %swap3A_216 {strides = array<i32>} : memref<128x256xf32, #tpu.memory_space<vmem>>, vector<1x16xf32>,
      %mul3A_217 = arith.constant 5.000000e-03 : f32
      %mul3A_218 = vector.broadcast %mul3A_217 : f32 to vector<16xf32>
      %mul3A_219 = arith.mulf %scan3A_179#9, %mul3A_218 : vector<16xf32>
      %swap3A_220 = arith.index_cast %add3A_184 : i32 to index
      %swap3A_221 = arith.constant 144 : index
      %swap3A_222 = tpu.vector_load %arg7[%swap3A_220, %swap3A_221] {strides = array<i32>} : memref<128x256xf32, #tpu.memory_space<vmem>>, vector<1x16xf32>,
      %swap3A_223 = vector.shape_cast %swap3A_222 : vector<1x16xf32> to vector<16xf32>
      %swap3A_224 = vector.shape_cast %mul3A_219 : vector<16xf32> to vector<1x16xf32>
      tpu.vector_store %arg7[%swap3A_220, %swap3A_221], %swap3A_224 {strides = array<i32>} : memref<128x256xf32, #tpu.memory_space<vmem>>, vector<1x16xf32>,
      %swap3A_225 = arith.index_cast %add3A_184 : i32 to index
      %swap3A_226 = arith.constant 208 : index
      %swap3A_227 = tpu.vector_load %arg7[%swap3A_225, %swap3A_226] {strides = array<i32>} : memref<128x256xf32, #tpu.memory_space<vmem>>, vector<1x16xf32>,
      %swap3A_228 = vector.shape_cast %swap3A_227 : vector<1x16xf32> to vector<16xf32>
      %swap3A_229 = vector.shape_cast %scan3A_179#9 : vector<16xf32> to vector<1x16xf32>
      tpu.vector_store %arg7[%swap3A_225, %swap3A_226], %swap3A_229 {strides = array<i32>} : memref<128x256xf32, #tpu.memory_space<vmem>>, vector<1x16xf32>,
      %swap3A_230 = arith.index_cast %add3A_184 : i32 to index
      %swap3A_231 = arith.constant 32 : index
      %swap3A_232 = tpu.vector_load %arg7[%swap3A_230, %swap3A_231] {strides = array<i32>} : memref<128x256xf32, #tpu.memory_space<vmem>>, vector<1x16xf32>,
      %swap3A_233 = vector.shape_cast %swap3A_232 : vector<1x16xf32> to vector<16xf32>
      %swap3A_234 = vector.shape_cast %scan3A_179#2 : vector<16xf32> to vector<1x16xf32>
      tpu.vector_store %arg7[%swap3A_230, %swap3A_231], %swap3A_234 {strides = array<i32>} : memref<128x256xf32, #tpu.memory_space<vmem>>, vector<1x16xf32>,
      %swap3A_235 = arith.index_cast %add3A_184 : i32 to index
      %swap3A_236 = arith.constant 96 : index
      %swap3A_237 = tpu.vector_load %arg7[%swap3A_235, %swap3A_236] {strides = array<i32>} : memref<128x256xf32, #tpu.memory_space<vmem>>, vector<1x16xf32>,
      %swap3A_238 = vector.shape_cast %swap3A_237 : vector<1x16xf32> to vector<16xf32>
      %swap3A_239 = vector.shape_cast %scan3A_179#6 : vector<16xf32> to vector<1x16xf32>
      tpu.vector_store %arg7[%swap3A_235, %swap3A_236], %swap3A_239 {strides = array<i32>} : memref<128x256xf32, #tpu.memory_space<vmem>>, vector<1x16xf32>,
      %mul3A_240 = arith.constant 5.000000e-03 : f32
      %mul3A_241 = vector.broadcast %mul3A_240 : f32 to vector<16xf32>
      %mul3A_242 = arith.mulf %scan3A_179#10, %mul3A_241 : vector<16xf32>
      %swap3A_243 = arith.index_cast %add3A_184 : i32 to index
      %swap3A_244 = arith.constant 160 : index
      %swap3A_245 = tpu.vector_load %arg7[%swap3A_243, %swap3A_244] {strides = array<i32>} : memref<128x256xf32, #tpu.memory_space<vmem>>, vector<1x16xf32>,
      %swap3A_246 = vector.shape_cast %swap3A_245 : vector<1x16xf32> to vector<16xf32>
      %swap3A_247 = vector.shape_cast %mul3A_242 : vector<16xf32> to vector<1x16xf32>
      tpu.vector_store %arg7[%swap3A_243, %swap3A_244], %swap3A_247 {strides = array<i32>} : memref<128x256xf32, #tpu.memory_space<vmem>>, vector<1x16xf32>,
      %swap3A_248 = arith.index_cast %add3A_184 : i32 to index
      %swap3A_249 = arith.constant 224 : index
      %swap3A_250 = tpu.vector_load %arg7[%swap3A_248, %swap3A_249] {strides = array<i32>} : memref<128x256xf32, #tpu.memory_space<vmem>>, vector<1x16xf32>,
      %swap3A_251 = vector.shape_cast %swap3A_250 : vector<1x16xf32> to vector<16xf32>
      %swap3A_252 = vector.shape_cast %scan3A_179#10 : vector<16xf32> to vector<1x16xf32>
      tpu.vector_store %arg7[%swap3A_248, %swap3A_249], %swap3A_252 {strides = array<i32>} : memref<128x256xf32, #tpu.memory_space<vmem>>, vector<1x16xf32>,
      %swap3A_253 = arith.index_cast %add3A_184 : i32 to index
      %swap3A_254 = arith.constant 48 : index
      %swap3A_255 = tpu.vector_load %arg7[%swap3A_253, %swap3A_254] {strides = array<i32>} : memref<128x256xf32, #tpu.memory_space<vmem>>, vector<1x16xf32>,
      %swap3A_256 = vector.shape_cast %swap3A_255 : vector<1x16xf32> to vector<16xf32>
      %swap3A_257 = vector.shape_cast %scan3A_179#3 : vector<16xf32> to vector<1x16xf32>
      tpu.vector_store %arg7[%swap3A_253, %swap3A_254], %swap3A_257 {strides = array<i32>} : memref<128x256xf32, #tpu.memory_space<vmem>>, vector<1x16xf32>,
      %swap3A_258 = arith.index_cast %add3A_184 : i32 to index
      %swap3A_259 = arith.constant 112 : index
      %swap3A_260 = tpu.vector_load %arg7[%swap3A_258, %swap3A_259] {strides = array<i32>} : memref<128x256xf32, #tpu.memory_space<vmem>>, vector<1x16xf32>,
      %swap3A_261 = vector.shape_cast %swap3A_260 : vector<1x16xf32> to vector<16xf32>
      %swap3A_262 = vector.shape_cast %scan3A_179#7 : vector<16xf32> to vector<1x16xf32>
      tpu.vector_store %arg7[%swap3A_258, %swap3A_259], %swap3A_262 {strides = array<i32>} : memref<128x256xf32, #tpu.memory_space<vmem>>, vector<1x16xf32>,
      %mul3A_263 = arith.constant 5.000000e-03 : f32
      %mul3A_264 = vector.broadcast %mul3A_263 : f32 to vector<16xf32>
      %mul3A_265 = arith.mulf %scan3A_179#11, %mul3A_264 : vector<16xf32>
      %swap3A_266 = arith.index_cast %add3A_184 : i32 to index
      %swap3A_267 = arith.constant 176 : index
      %swap3A_268 = tpu.vector_load %arg7[%swap3A_266, %swap3A_267] {strides = array<i32>} : memref<128x256xf32, #tpu.memory_space<vmem>>, vector<1x16xf32>,
      %swap3A_269 = vector.shape_cast %swap3A_268 : vector<1x16xf32> to vector<16xf32>
      %swap3A_270 = vector.shape_cast %mul3A_265 : vector<16xf32> to vector<1x16xf32>
      tpu.vector_store %arg7[%swap3A_266, %swap3A_267], %swap3A_270 {strides = array<i32>} : memref<128x256xf32, #tpu.memory_space<vmem>>, vector<1x16xf32>,
      %swap3A_271 = arith.index_cast %add3A_184 : i32 to index
      %swap3A_272 = arith.constant 240 : index
      %swap3A_273 = tpu.vector_load %arg7[%swap3A_271, %swap3A_272] {strides = array<i32>} : memref<128x256xf32, #tpu.memory_space<vmem>>, vector<1x16xf32>,
      %swap3A_274 = vector.shape_cast %swap3A_273 : vector<1x16xf32> to vector<16xf32>
      %swap3A_275 = vector.shape_cast %scan3A_179#11 : vector<16xf32> to vector<1x16xf32>
      tpu.vector_store %arg7[%swap3A_271, %swap3A_272], %swap3A_275 {strides = array<i32>} : memref<128x256xf32, #tpu.memory_space<vmem>>, vector<1x16xf32>,
      %broadcast_in_dim3A_276 = arith.constant 0xFF800000 : f32
      %broadcast_in_dim3A_277 = vector.broadcast %broadcast_in_dim3A_276 : f32 to vector<16xf32>
      %broadcast_in_dim3A_278 = arith.constant 0x7F800000 : f32
      %broadcast_in_dim3A_279 = vector.broadcast %broadcast_in_dim3A_278 : f32 to vector<16xf32>
      %broadcast_in_dim3A_280 = arith.constant 0.000000e+00 : f32
      %broadcast_in_dim3A_281 = vector.broadcast %broadcast_in_dim3A_280 : f32 to vector<16xf32>
      %scan3A_282 = arith.constant 0 : i32
      %scan3A_283 = arith.constant 0 : i32
      %scan3A_284 = arith.constant 50 : i32
      %scan3A_285 = arith.addi %scan3A_283, %scan3A_284 : i32
      %scan3A_286 = arith.constant 1 : i32
      %scan3A_287:12 = scf.for %scan3A_674 = %scan3A_283 to %scan3A_285 step %scan3A_286 iter_args(%scan3A_675 = %broadcast_in_dim3A_277, %scan3A_676 = %broadcast_in_dim3A_277, %scan3A_677 = %broadcast_in_dim3A_277, %scan3A_678 = %broadcast_in_dim3A_277, %scan3A_679 = %broadcast_in_dim3A_279, %scan3A_680 = %broadcast_in_dim3A_279, %scan3A_681 = %broadcast_in_dim3A_279, %scan3A_682 = %broadcast_in_dim3A_279, %scan3A_683 = %broadcast_in_dim3A_281, %scan3A_684 = %broadcast_in_dim3A_281, %scan3A_685 = %broadcast_in_dim3A_281, %scan3A_686 = %broadcast_in_dim3A_281) -> (vector<16xf32>, vector<16xf32>, vector<16xf32>, vector<16xf32>, vector<16xf32>, vector<16xf32>, vector<16xf32>, vector<16xf32>, vector<16xf32>, vector<16xf32>, vector<16xf32>, vector<16xf32>)  : i32 {
        %mul3A_687 = arith.constant 4 : i32
        %mul3A_688 = arith.muli %scan3A_674, %mul3A_687 : i32
        %add3A_689 = arith.constant 200 : i32
        %add3A_690 = arith.addi %add3A_689, %mul3A_688 : i32
        %add3A_691 = arith.constant 0 : i32
        %add3A_692 = arith.addi %add3A_690, %add3A_691 : i32
        %get3A = arith.constant 0 : i32
        %get3A_693 = arith.constant 0 : i32
        %get3A_694 = tpu.memref_slice %arg6[%scan3A_282, %get3A, %get3A_693] : memref<2x400x64xf32, #tpu.memory_space<vmem>> -> memref<1x400x64xf32, #tpu.memory_space<vmem>>
        %get3A_695 = tpu.memref_squeeze %get3A_694 : memref<1x400x64xf32, #tpu.memory_space<vmem>> -> memref<400x64xf32, #tpu.memory_space<vmem>>
        %get3A_696 = arith.index_cast %add3A_692 : i32 to index
        %get3A_697 = arith.constant 0 : index
        %get3A_698 = tpu.vector_load %get3A_695[%get3A_696, %get3A_697] {strides = array<i32>} : memref<400x64xf32, #tpu.memory_space<vmem>>, vector<1x16xf32>,
        %get3A_699 = vector.shape_cast %get3A_698 : vector<1x16xf32> to vector<16xf32>
        %max3A = arith.maximumf %scan3A_675, %get3A_699 : vector<16xf32>
        %min3A = arith.minimumf %scan3A_679, %get3A_699 : vector<16xf32>
        %add3A_700 = arith.addf %scan3A_683, %get3A_699 : vector<16xf32>
        %get3A_701 = arith.constant 0 : i32
        %get3A_702 = arith.constant 0 : i32
        %get3A_703 = tpu.memref_slice %arg6[%scan3A_282, %get3A_701, %get3A_702] : memref<2x400x64xf32, #tpu.memory_space<vmem>> -> memref<1x400x64xf32, #tpu.memory_space<vmem>>
        %get3A_704 = tpu.memref_squeeze %get3A_703 : memref<1x400x64xf32, #tpu.memory_space<vmem>> -> memref<400x64xf32, #tpu.memory_space<vmem>>
        %get3A_705 = arith.index_cast %add3A_692 : i32 to index
        %get3A_706 = arith.constant 16 : index
        %get3A_707 = tpu.vector_load %get3A_704[%get3A_705, %get3A_706] {strides = array<i32>} : memref<400x64xf32, #tpu.memory_space<vmem>>, vector<1x16xf32>,
        %get3A_708 = vector.shape_cast %get3A_707 : vector<1x16xf32> to vector<16xf32>
        %max3A_709 = arith.maximumf %scan3A_676, %get3A_708 : vector<16xf32>
        %min3A_710 = arith.minimumf %scan3A_680, %get3A_708 : vector<16xf32>
        %add3A_711 = arith.addf %scan3A_684, %get3A_708 : vector<16xf32>
        %get3A_712 = arith.constant 0 : i32
        %get3A_713 = arith.constant 0 : i32
        %get3A_714 = tpu.memref_slice %arg6[%scan3A_282, %get3A_712, %get3A_713] : memref<2x400x64xf32, #tpu.memory_space<vmem>> -> memref<1x400x64xf32, #tpu.memory_space<vmem>>
        %get3A_715 = tpu.memref_squeeze %get3A_714 : memref<1x400x64xf32, #tpu.memory_space<vmem>> -> memref<400x64xf32, #tpu.memory_space<vmem>>
        %get3A_716 = arith.index_cast %add3A_692 : i32 to index
        %get3A_717 = arith.constant 32 : index
        %get3A_718 = tpu.vector_load %get3A_715[%get3A_716, %get3A_717] {strides = array<i32>} : memref<400x64xf32, #tpu.memory_space<vmem>>, vector<1x16xf32>,
        %get3A_719 = vector.shape_cast %get3A_718 : vector<1x16xf32> to vector<16xf32>
        %max3A_720 = arith.maximumf %scan3A_677, %get3A_719 : vector<16xf32>
        %min3A_721 = arith.minimumf %scan3A_681, %get3A_719 : vector<16xf32>
        %add3A_722 = arith.addf %scan3A_685, %get3A_719 : vector<16xf32>
        %get3A_723 = arith.constant 0 : i32
        %get3A_724 = arith.constant 0 : i32
        %get3A_725 = tpu.memref_slice %arg6[%scan3A_282, %get3A_723, %get3A_724] : memref<2x400x64xf32, #tpu.memory_space<vmem>> -> memref<1x400x64xf32, #tpu.memory_space<vmem>>
        %get3A_726 = tpu.memref_squeeze %get3A_725 : memref<1x400x64xf32, #tpu.memory_space<vmem>> -> memref<400x64xf32, #tpu.memory_space<vmem>>
        %get3A_727 = arith.index_cast %add3A_692 : i32 to index
        %get3A_728 = arith.constant 48 : index
        %get3A_729 = tpu.vector_load %get3A_726[%get3A_727, %get3A_728] {strides = array<i32>} : memref<400x64xf32, #tpu.memory_space<vmem>>, vector<1x16xf32>,
        %get3A_730 = vector.shape_cast %get3A_729 : vector<1x16xf32> to vector<16xf32>
        %max3A_731 = arith.maximumf %scan3A_678, %get3A_730 : vector<16xf32>
        %min3A_732 = arith.minimumf %scan3A_682, %get3A_730 : vector<16xf32>
        %add3A_733 = arith.addf %scan3A_686, %get3A_730 : vector<16xf32>
        %mul3A_734 = arith.constant 4 : i32
        %mul3A_735 = arith.muli %scan3A_674, %mul3A_734 : i32
        %add3A_736 = arith.constant 200 : i32
        %add3A_737 = arith.addi %add3A_736, %mul3A_735 : i32
        %add3A_738 = arith.constant 1 : i32
        %add3A_739 = arith.addi %add3A_737, %add3A_738 : i32
        %get3A_740 = arith.constant 0 : i32
        %get3A_741 = arith.constant 0 : i32
        %get3A_742 = tpu.memref_slice %arg6[%scan3A_282, %get3A_740, %get3A_741] : memref<2x400x64xf32, #tpu.memory_space<vmem>> -> memref<1x400x64xf32, #tpu.memory_space<vmem>>
        %get3A_743 = tpu.memref_squeeze %get3A_742 : memref<1x400x64xf32, #tpu.memory_space<vmem>> -> memref<400x64xf32, #tpu.memory_space<vmem>>
        %get3A_744 = arith.index_cast %add3A_739 : i32 to index
        %get3A_745 = arith.constant 0 : index
        %get3A_746 = tpu.vector_load %get3A_743[%get3A_744, %get3A_745] {strides = array<i32>} : memref<400x64xf32, #tpu.memory_space<vmem>>, vector<1x16xf32>,
        %get3A_747 = vector.shape_cast %get3A_746 : vector<1x16xf32> to vector<16xf32>
        %max3A_748 = arith.maximumf %max3A, %get3A_747 : vector<16xf32>
        %min3A_749 = arith.minimumf %min3A, %get3A_747 : vector<16xf32>
        %add3A_750 = arith.addf %add3A_700, %get3A_747 : vector<16xf32>
        %get3A_751 = arith.constant 0 : i32
        %get3A_752 = arith.constant 0 : i32
        %get3A_753 = tpu.memref_slice %arg6[%scan3A_282, %get3A_751, %get3A_752] : memref<2x400x64xf32, #tpu.memory_space<vmem>> -> memref<1x400x64xf32, #tpu.memory_space<vmem>>
        %get3A_754 = tpu.memref_squeeze %get3A_753 : memref<1x400x64xf32, #tpu.memory_space<vmem>> -> memref<400x64xf32, #tpu.memory_space<vmem>>
        %get3A_755 = arith.index_cast %add3A_739 : i32 to index
        %get3A_756 = arith.constant 16 : index
        %get3A_757 = tpu.vector_load %get3A_754[%get3A_755, %get3A_756] {strides = array<i32>} : memref<400x64xf32, #tpu.memory_space<vmem>>, vector<1x16xf32>,
        %get3A_758 = vector.shape_cast %get3A_757 : vector<1x16xf32> to vector<16xf32>
        %max3A_759 = arith.maximumf %max3A_709, %get3A_758 : vector<16xf32>
        %min3A_760 = arith.minimumf %min3A_710, %get3A_758 : vector<16xf32>
        %add3A_761 = arith.addf %add3A_711, %get3A_758 : vector<16xf32>
        %get3A_762 = arith.constant 0 : i32
        %get3A_763 = arith.constant 0 : i32
        %get3A_764 = tpu.memref_slice %arg6[%scan3A_282, %get3A_762, %get3A_763] : memref<2x400x64xf32, #tpu.memory_space<vmem>> -> memref<1x400x64xf32, #tpu.memory_space<vmem>>
        %get3A_765 = tpu.memref_squeeze %get3A_764 : memref<1x400x64xf32, #tpu.memory_space<vmem>> -> memref<400x64xf32, #tpu.memory_space<vmem>>
        %get3A_766 = arith.index_cast %add3A_739 : i32 to index
        %get3A_767 = arith.constant 32 : index
        %get3A_768 = tpu.vector_load %get3A_765[%get3A_766, %get3A_767] {strides = array<i32>} : memref<400x64xf32, #tpu.memory_space<vmem>>, vector<1x16xf32>,
        %get3A_769 = vector.shape_cast %get3A_768 : vector<1x16xf32> to vector<16xf32>
        %max3A_770 = arith.maximumf %max3A_720, %get3A_769 : vector<16xf32>
        %min3A_771 = arith.minimumf %min3A_721, %get3A_769 : vector<16xf32>
        %add3A_772 = arith.addf %add3A_722, %get3A_769 : vector<16xf32>
        %get3A_773 = arith.constant 0 : i32
        %get3A_774 = arith.constant 0 : i32
        %get3A_775 = tpu.memref_slice %arg6[%scan3A_282, %get3A_773, %get3A_774] : memref<2x400x64xf32, #tpu.memory_space<vmem>> -> memref<1x400x64xf32, #tpu.memory_space<vmem>>
        %get3A_776 = tpu.memref_squeeze %get3A_775 : memref<1x400x64xf32, #tpu.memory_space<vmem>> -> memref<400x64xf32, #tpu.memory_space<vmem>>
        %get3A_777 = arith.index_cast %add3A_739 : i32 to index
        %get3A_778 = arith.constant 48 : index
        %get3A_779 = tpu.vector_load %get3A_776[%get3A_777, %get3A_778] {strides = array<i32>} : memref<400x64xf32, #tpu.memory_space<vmem>>, vector<1x16xf32>,
        %get3A_780 = vector.shape_cast %get3A_779 : vector<1x16xf32> to vector<16xf32>
        %max3A_781 = arith.maximumf %max3A_731, %get3A_780 : vector<16xf32>
        %min3A_782 = arith.minimumf %min3A_732, %get3A_780 : vector<16xf32>
        %add3A_783 = arith.addf %add3A_733, %get3A_780 : vector<16xf32>
        %mul3A_784 = arith.constant 4 : i32
        %mul3A_785 = arith.muli %scan3A_674, %mul3A_784 : i32
        %add3A_786 = arith.constant 200 : i32
        %add3A_787 = arith.addi %add3A_786, %mul3A_785 : i32
        %add3A_788 = arith.constant 2 : i32
        %add3A_789 = arith.addi %add3A_787, %add3A_788 : i32
        %get3A_790 = arith.constant 0 : i32
        %get3A_791 = arith.constant 0 : i32
        %get3A_792 = tpu.memref_slice %arg6[%scan3A_282, %get3A_790, %get3A_791] : memref<2x400x64xf32, #tpu.memory_space<vmem>> -> memref<1x400x64xf32, #tpu.memory_space<vmem>>
        %get3A_793 = tpu.memref_squeeze %get3A_792 : memref<1x400x64xf32, #tpu.memory_space<vmem>> -> memref<400x64xf32, #tpu.memory_space<vmem>>
        %get3A_794 = arith.index_cast %add3A_789 : i32 to index
        %get3A_795 = arith.constant 0 : index
        %get3A_796 = tpu.vector_load %get3A_793[%get3A_794, %get3A_795] {strides = array<i32>} : memref<400x64xf32, #tpu.memory_space<vmem>>, vector<1x16xf32>,
        %get3A_797 = vector.shape_cast %get3A_796 : vector<1x16xf32> to vector<16xf32>
        %max3A_798 = arith.maximumf %max3A_748, %get3A_797 : vector<16xf32>
        %min3A_799 = arith.minimumf %min3A_749, %get3A_797 : vector<16xf32>
        %add3A_800 = arith.addf %add3A_750, %get3A_797 : vector<16xf32>
        %get3A_801 = arith.constant 0 : i32
        %get3A_802 = arith.constant 0 : i32
        %get3A_803 = tpu.memref_slice %arg6[%scan3A_282, %get3A_801, %get3A_802] : memref<2x400x64xf32, #tpu.memory_space<vmem>> -> memref<1x400x64xf32, #tpu.memory_space<vmem>>
        %get3A_804 = tpu.memref_squeeze %get3A_803 : memref<1x400x64xf32, #tpu.memory_space<vmem>> -> memref<400x64xf32, #tpu.memory_space<vmem>>
        %get3A_805 = arith.index_cast %add3A_789 : i32 to index
        %get3A_806 = arith.constant 16 : index
        %get3A_807 = tpu.vector_load %get3A_804[%get3A_805, %get3A_806] {strides = array<i32>} : memref<400x64xf32, #tpu.memory_space<vmem>>, vector<1x16xf32>,
        %get3A_808 = vector.shape_cast %get3A_807 : vector<1x16xf32> to vector<16xf32>
        %max3A_809 = arith.maximumf %max3A_759, %get3A_808 : vector<16xf32>
        %min3A_810 = arith.minimumf %min3A_760, %get3A_808 : vector<16xf32>
        %add3A_811 = arith.addf %add3A_761, %get3A_808 : vector<16xf32>
        %get3A_812 = arith.constant 0 : i32
        %get3A_813 = arith.constant 0 : i32
        %get3A_814 = tpu.memref_slice %arg6[%scan3A_282, %get3A_812, %get3A_813] : memref<2x400x64xf32, #tpu.memory_space<vmem>> -> memref<1x400x64xf32, #tpu.memory_space<vmem>>
        %get3A_815 = tpu.memref_squeeze %get3A_814 : memref<1x400x64xf32, #tpu.memory_space<vmem>> -> memref<400x64xf32, #tpu.memory_space<vmem>>
        %get3A_816 = arith.index_cast %add3A_789 : i32 to index
        %get3A_817 = arith.constant 32 : index
        %get3A_818 = tpu.vector_load %get3A_815[%get3A_816, %get3A_817] {strides = array<i32>} : memref<400x64xf32, #tpu.memory_space<vmem>>, vector<1x16xf32>,
        %get3A_819 = vector.shape_cast %get3A_818 : vector<1x16xf32> to vector<16xf32>
        %max3A_820 = arith.maximumf %max3A_770, %get3A_819 : vector<16xf32>
        %min3A_821 = arith.minimumf %min3A_771, %get3A_819 : vector<16xf32>
        %add3A_822 = arith.addf %add3A_772, %get3A_819 : vector<16xf32>
        %get3A_823 = arith.constant 0 : i32
        %get3A_824 = arith.constant 0 : i32
        %get3A_825 = tpu.memref_slice %arg6[%scan3A_282, %get3A_823, %get3A_824] : memref<2x400x64xf32, #tpu.memory_space<vmem>> -> memref<1x400x64xf32, #tpu.memory_space<vmem>>
        %get3A_826 = tpu.memref_squeeze %get3A_825 : memref<1x400x64xf32, #tpu.memory_space<vmem>> -> memref<400x64xf32, #tpu.memory_space<vmem>>
        %get3A_827 = arith.index_cast %add3A_789 : i32 to index
        %get3A_828 = arith.constant 48 : index
        %get3A_829 = tpu.vector_load %get3A_826[%get3A_827, %get3A_828] {strides = array<i32>} : memref<400x64xf32, #tpu.memory_space<vmem>>, vector<1x16xf32>,
        %get3A_830 = vector.shape_cast %get3A_829 : vector<1x16xf32> to vector<16xf32>
        %max3A_831 = arith.maximumf %max3A_781, %get3A_830 : vector<16xf32>
        %min3A_832 = arith.minimumf %min3A_782, %get3A_830 : vector<16xf32>
        %add3A_833 = arith.addf %add3A_783, %get3A_830 : vector<16xf32>
        %mul3A_834 = arith.constant 4 : i32
        %mul3A_835 = arith.muli %scan3A_674, %mul3A_834 : i32
        %add3A_836 = arith.constant 200 : i32
        %add3A_837 = arith.addi %add3A_836, %mul3A_835 : i32
        %add3A_838 = arith.constant 3 : i32
        %add3A_839 = arith.addi %add3A_837, %add3A_838 : i32
        %get3A_840 = arith.constant 0 : i32
        %get3A_841 = arith.constant 0 : i32
        %get3A_842 = tpu.memref_slice %arg6[%scan3A_282, %get3A_840, %get3A_841] : memref<2x400x64xf32, #tpu.memory_space<vmem>> -> memref<1x400x64xf32, #tpu.memory_space<vmem>>
        %get3A_843 = tpu.memref_squeeze %get3A_842 : memref<1x400x64xf32, #tpu.memory_space<vmem>> -> memref<400x64xf32, #tpu.memory_space<vmem>>
        %get3A_844 = arith.index_cast %add3A_839 : i32 to index
        %get3A_845 = arith.constant 0 : index
        %get3A_846 = tpu.vector_load %get3A_843[%get3A_844, %get3A_845] {strides = array<i32>} : memref<400x64xf32, #tpu.memory_space<vmem>>, vector<1x16xf32>,
        %get3A_847 = vector.shape_cast %get3A_846 : vector<1x16xf32> to vector<16xf32>
        %max3A_848 = arith.maximumf %max3A_798, %get3A_847 : vector<16xf32>
        %min3A_849 = arith.minimumf %min3A_799, %get3A_847 : vector<16xf32>
        %add3A_850 = arith.addf %add3A_800, %get3A_847 : vector<16xf32>
        %get3A_851 = arith.constant 0 : i32
        %get3A_852 = arith.constant 0 : i32
        %get3A_853 = tpu.memref_slice %arg6[%scan3A_282, %get3A_851, %get3A_852] : memref<2x400x64xf32, #tpu.memory_space<vmem>> -> memref<1x400x64xf32, #tpu.memory_space<vmem>>
        %get3A_854 = tpu.memref_squeeze %get3A_853 : memref<1x400x64xf32, #tpu.memory_space<vmem>> -> memref<400x64xf32, #tpu.memory_space<vmem>>
        %get3A_855 = arith.index_cast %add3A_839 : i32 to index
        %get3A_856 = arith.constant 16 : index
        %get3A_857 = tpu.vector_load %get3A_854[%get3A_855, %get3A_856] {strides = array<i32>} : memref<400x64xf32, #tpu.memory_space<vmem>>, vector<1x16xf32>,
        %get3A_858 = vector.shape_cast %get3A_857 : vector<1x16xf32> to vector<16xf32>
        %max3A_859 = arith.maximumf %max3A_809, %get3A_858 : vector<16xf32>
        %min3A_860 = arith.minimumf %min3A_810, %get3A_858 : vector<16xf32>
        %add3A_861 = arith.addf %add3A_811, %get3A_858 : vector<16xf32>
        %get3A_862 = arith.constant 0 : i32
        %get3A_863 = arith.constant 0 : i32
        %get3A_864 = tpu.memref_slice %arg6[%scan3A_282, %get3A_862, %get3A_863] : memref<2x400x64xf32, #tpu.memory_space<vmem>> -> memref<1x400x64xf32, #tpu.memory_space<vmem>>
        %get3A_865 = tpu.memref_squeeze %get3A_864 : memref<1x400x64xf32, #tpu.memory_space<vmem>> -> memref<400x64xf32, #tpu.memory_space<vmem>>
        %get3A_866 = arith.index_cast %add3A_839 : i32 to index
        %get3A_867 = arith.constant 32 : index
        %get3A_868 = tpu.vector_load %get3A_865[%get3A_866, %get3A_867] {strides = array<i32>} : memref<400x64xf32, #tpu.memory_space<vmem>>, vector<1x16xf32>,
        %get3A_869 = vector.shape_cast %get3A_868 : vector<1x16xf32> to vector<16xf32>
        %max3A_870 = arith.maximumf %max3A_820, %get3A_869 : vector<16xf32>
        %min3A_871 = arith.minimumf %min3A_821, %get3A_869 : vector<16xf32>
        %add3A_872 = arith.addf %add3A_822, %get3A_869 : vector<16xf32>
        %get3A_873 = arith.constant 0 : i32
        %get3A_874 = arith.constant 0 : i32
        %get3A_875 = tpu.memref_slice %arg6[%scan3A_282, %get3A_873, %get3A_874] : memref<2x400x64xf32, #tpu.memory_space<vmem>> -> memref<1x400x64xf32, #tpu.memory_space<vmem>>
        %get3A_876 = tpu.memref_squeeze %get3A_875 : memref<1x400x64xf32, #tpu.memory_space<vmem>> -> memref<400x64xf32, #tpu.memory_space<vmem>>
        %get3A_877 = arith.index_cast %add3A_839 : i32 to index
        %get3A_878 = arith.constant 48 : index
        %get3A_879 = tpu.vector_load %get3A_876[%get3A_877, %get3A_878] {strides = array<i32>} : memref<400x64xf32, #tpu.memory_space<vmem>>, vector<1x16xf32>,
        %get3A_880 = vector.shape_cast %get3A_879 : vector<1x16xf32> to vector<16xf32>
        %max3A_881 = arith.maximumf %max3A_831, %get3A_880 : vector<16xf32>
        %min3A_882 = arith.minimumf %min3A_832, %get3A_880 : vector<16xf32>
        %add3A_883 = arith.addf %add3A_833, %get3A_880 : vector<16xf32>
        scf.yield %max3A_848, %max3A_859, %max3A_870, %max3A_881, %min3A_849, %min3A_860, %min3A_871, %min3A_882, %add3A_850, %add3A_861, %add3A_872, %add3A_883 : vector<16xf32>, vector<16xf32>, vector<16xf32>, vector<16xf32>, vector<16xf32>, vector<16xf32>, vector<16xf32>, vector<16xf32>, vector<16xf32>, vector<16xf32>, vector<16xf32>, vector<16xf32>
      }
      %scan3A_288 = arith.constant 50 : i32
      %mul3A_289 = arith.constant 2 : i32
      %mul3A_290 = arith.muli %add3A_109, %mul3A_289 : i32
      %add3A_291 = arith.constant 1 : i32
      %add3A_292 = arith.addi %mul3A_290, %add3A_291 : i32
      %swap3A_293 = arith.index_cast %add3A_292 : i32 to index
      %swap3A_294 = arith.constant 0 : index
      %swap3A_295 = tpu.vector_load %arg7[%swap3A_293, %swap3A_294] {strides = array<i32>} : memref<128x256xf32, #tpu.memory_space<vmem>>, vector<1x16xf32>,
      %swap3A_296 = vector.shape_cast %swap3A_295 : vector<1x16xf32> to vector<16xf32>
      %swap3A_297 = vector.shape_cast %scan3A_287#0 : vector<16xf32> to vector<1x16xf32>
      tpu.vector_store %arg7[%swap3A_293, %swap3A_294], %swap3A_297 {strides = array<i32>} : memref<128x256xf32, #tpu.memory_space<vmem>>, vector<1x16xf32>,
      %swap3A_298 = arith.index_cast %add3A_292 : i32 to index
      %swap3A_299 = arith.constant 64 : index
      %swap3A_300 = tpu.vector_load %arg7[%swap3A_298, %swap3A_299] {strides = array<i32>} : memref<128x256xf32, #tpu.memory_space<vmem>>, vector<1x16xf32>,
      %swap3A_301 = vector.shape_cast %swap3A_300 : vector<1x16xf32> to vector<16xf32>
      %swap3A_302 = vector.shape_cast %scan3A_287#4 : vector<16xf32> to vector<1x16xf32>
      tpu.vector_store %arg7[%swap3A_298, %swap3A_299], %swap3A_302 {strides = array<i32>} : memref<128x256xf32, #tpu.memory_space<vmem>>, vector<1x16xf32>,
      %mul3A_303 = arith.constant 5.000000e-03 : f32
      %mul3A_304 = vector.broadcast %mul3A_303 : f32 to vector<16xf32>
      %mul3A_305 = arith.mulf %scan3A_287#8, %mul3A_304 : vector<16xf32>
      %swap3A_306 = arith.index_cast %add3A_292 : i32 to index
      %swap3A_307 = arith.constant 128 : index
      %swap3A_308 = tpu.vector_load %arg7[%swap3A_306, %swap3A_307] {strides = array<i32>} : memref<128x256xf32, #tpu.memory_space<vmem>>, vector<1x16xf32>,
      %swap3A_309 = vector.shape_cast %swap3A_308 : vector<1x16xf32> to vector<16xf32>
      %swap3A_310 = vector.shape_cast %mul3A_305 : vector<16xf32> to vector<1x16xf32>
      tpu.vector_store %arg7[%swap3A_306, %swap3A_307], %swap3A_310 {strides = array<i32>} : memref<128x256xf32, #tpu.memory_space<vmem>>, vector<1x16xf32>,
      %swap3A_311 = arith.index_cast %add3A_292 : i32 to index
      %swap3A_312 = arith.constant 192 : index
      %swap3A_313 = tpu.vector_load %arg7[%swap3A_311, %swap3A_312] {strides = array<i32>} : memref<128x256xf32, #tpu.memory_space<vmem>>, vector<1x16xf32>,
      %swap3A_314 = vector.shape_cast %swap3A_313 : vector<1x16xf32> to vector<16xf32>
      %swap3A_315 = vector.shape_cast %scan3A_287#8 : vector<16xf32> to vector<1x16xf32>
      tpu.vector_store %arg7[%swap3A_311, %swap3A_312], %swap3A_315 {strides = array<i32>} : memref<128x256xf32, #tpu.memory_space<vmem>>, vector<1x16xf32>,
      %swap3A_316 = arith.index_cast %add3A_292 : i32 to index
      %swap3A_317 = arith.constant 16 : index
      %swap3A_318 = tpu.vector_load %arg7[%swap3A_316, %swap3A_317] {strides = array<i32>} : memref<128x256xf32, #tpu.memory_space<vmem>>, vector<1x16xf32>,
      %swap3A_319 = vector.shape_cast %swap3A_318 : vector<1x16xf32> to vector<16xf32>
      %swap3A_320 = vector.shape_cast %scan3A_287#1 : vector<16xf32> to vector<1x16xf32>
      tpu.vector_store %arg7[%swap3A_316, %swap3A_317], %swap3A_320 {strides = array<i32>} : memref<128x256xf32, #tpu.memory_space<vmem>>, vector<1x16xf32>,
      %swap3A_321 = arith.index_cast %add3A_292 : i32 to index
      %swap3A_322 = arith.constant 80 : index
      %swap3A_323 = tpu.vector_load %arg7[%swap3A_321, %swap3A_322] {strides = array<i32>} : memref<128x256xf32, #tpu.memory_space<vmem>>, vector<1x16xf32>,
      %swap3A_324 = vector.shape_cast %swap3A_323 : vector<1x16xf32> to vector<16xf32>
      %swap3A_325 = vector.shape_cast %scan3A_287#5 : vector<16xf32> to vector<1x16xf32>
      tpu.vector_store %arg7[%swap3A_321, %swap3A_322], %swap3A_325 {strides = array<i32>} : memref<128x256xf32, #tpu.memory_space<vmem>>, vector<1x16xf32>,
      %mul3A_326 = arith.constant 5.000000e-03 : f32
      %mul3A_327 = vector.broadcast %mul3A_326 : f32 to vector<16xf32>
      %mul3A_328 = arith.mulf %scan3A_287#9, %mul3A_327 : vector<16xf32>
      %swap3A_329 = arith.index_cast %add3A_292 : i32 to index
      %swap3A_330 = arith.constant 144 : index
      %swap3A_331 = tpu.vector_load %arg7[%swap3A_329, %swap3A_330] {strides = array<i32>} : memref<128x256xf32, #tpu.memory_space<vmem>>, vector<1x16xf32>,
      %swap3A_332 = vector.shape_cast %swap3A_331 : vector<1x16xf32> to vector<16xf32>
      %swap3A_333 = vector.shape_cast %mul3A_328 : vector<16xf32> to vector<1x16xf32>
      tpu.vector_store %arg7[%swap3A_329, %swap3A_330], %swap3A_333 {strides = array<i32>} : memref<128x256xf32, #tpu.memory_space<vmem>>, vector<1x16xf32>,
      %swap3A_334 = arith.index_cast %add3A_292 : i32 to index
      %swap3A_335 = arith.constant 208 : index
      %swap3A_336 = tpu.vector_load %arg7[%swap3A_334, %swap3A_335] {strides = array<i32>} : memref<128x256xf32, #tpu.memory_space<vmem>>, vector<1x16xf32>,
      %swap3A_337 = vector.shape_cast %swap3A_336 : vector<1x16xf32> to vector<16xf32>
      %swap3A_338 = vector.shape_cast %scan3A_287#9 : vector<16xf32> to vector<1x16xf32>
      tpu.vector_store %arg7[%swap3A_334, %swap3A_335], %swap3A_338 {strides = array<i32>} : memref<128x256xf32, #tpu.memory_space<vmem>>, vector<1x16xf32>,
      %swap3A_339 = arith.index_cast %add3A_292 : i32 to index
      %swap3A_340 = arith.constant 32 : index
      %swap3A_341 = tpu.vector_load %arg7[%swap3A_339, %swap3A_340] {strides = array<i32>} : memref<128x256xf32, #tpu.memory_space<vmem>>, vector<1x16xf32>,
      %swap3A_342 = vector.shape_cast %swap3A_341 : vector<1x16xf32> to vector<16xf32>
      %swap3A_343 = vector.shape_cast %scan3A_287#2 : vector<16xf32> to vector<1x16xf32>
      tpu.vector_store %arg7[%swap3A_339, %swap3A_340], %swap3A_343 {strides = array<i32>} : memref<128x256xf32, #tpu.memory_space<vmem>>, vector<1x16xf32>,
      %swap3A_344 = arith.index_cast %add3A_292 : i32 to index
      %swap3A_345 = arith.constant 96 : index
      %swap3A_346 = tpu.vector_load %arg7[%swap3A_344, %swap3A_345] {strides = array<i32>} : memref<128x256xf32, #tpu.memory_space<vmem>>, vector<1x16xf32>,
      %swap3A_347 = vector.shape_cast %swap3A_346 : vector<1x16xf32> to vector<16xf32>
      %swap3A_348 = vector.shape_cast %scan3A_287#6 : vector<16xf32> to vector<1x16xf32>
      tpu.vector_store %arg7[%swap3A_344, %swap3A_345], %swap3A_348 {strides = array<i32>} : memref<128x256xf32, #tpu.memory_space<vmem>>, vector<1x16xf32>,
      %mul3A_349 = arith.constant 5.000000e-03 : f32
      %mul3A_350 = vector.broadcast %mul3A_349 : f32 to vector<16xf32>
      %mul3A_351 = arith.mulf %scan3A_287#10, %mul3A_350 : vector<16xf32>
      %swap3A_352 = arith.index_cast %add3A_292 : i32 to index
      %swap3A_353 = arith.constant 160 : index
      %swap3A_354 = tpu.vector_load %arg7[%swap3A_352, %swap3A_353] {strides = array<i32>} : memref<128x256xf32, #tpu.memory_space<vmem>>, vector<1x16xf32>,
      %swap3A_355 = vector.shape_cast %swap3A_354 : vector<1x16xf32> to vector<16xf32>
      %swap3A_356 = vector.shape_cast %mul3A_351 : vector<16xf32> to vector<1x16xf32>
      tpu.vector_store %arg7[%swap3A_352, %swap3A_353], %swap3A_356 {strides = array<i32>} : memref<128x256xf32, #tpu.memory_space<vmem>>, vector<1x16xf32>,
      %swap3A_357 = arith.index_cast %add3A_292 : i32 to index
      %swap3A_358 = arith.constant 224 : index
      %swap3A_359 = tpu.vector_load %arg7[%swap3A_357, %swap3A_358] {strides = array<i32>} : memref<128x256xf32, #tpu.memory_space<vmem>>, vector<1x16xf32>,
      %swap3A_360 = vector.shape_cast %swap3A_359 : vector<1x16xf32> to vector<16xf32>
      %swap3A_361 = vector.shape_cast %scan3A_287#10 : vector<16xf32> to vector<1x16xf32>
      tpu.vector_store %arg7[%swap3A_357, %swap3A_358], %swap3A_361 {strides = array<i32>} : memref<128x256xf32, #tpu.memory_space<vmem>>, vector<1x16xf32>,
      %swap3A_362 = arith.index_cast %add3A_292 : i32 to index
      %swap3A_363 = arith.constant 48 : index
      %swap3A_364 = tpu.vector_load %arg7[%swap3A_362, %swap3A_363] {strides = array<i32>} : memref<128x256xf32, #tpu.memory_space<vmem>>, vector<1x16xf32>,
      %swap3A_365 = vector.shape_cast %swap3A_364 : vector<1x16xf32> to vector<16xf32>
      %swap3A_366 = vector.shape_cast %scan3A_287#3 : vector<16xf32> to vector<1x16xf32>
      tpu.vector_store %arg7[%swap3A_362, %swap3A_363], %swap3A_366 {strides = array<i32>} : memref<128x256xf32, #tpu.memory_space<vmem>>, vector<1x16xf32>,
      %swap3A_367 = arith.index_cast %add3A_292 : i32 to index
      %swap3A_368 = arith.constant 112 : index
      %swap3A_369 = tpu.vector_load %arg7[%swap3A_367, %swap3A_368] {strides = array<i32>} : memref<128x256xf32, #tpu.memory_space<vmem>>, vector<1x16xf32>,
      %swap3A_370 = vector.shape_cast %swap3A_369 : vector<1x16xf32> to vector<16xf32>
      %swap3A_371 = vector.shape_cast %scan3A_287#7 : vector<16xf32> to vector<1x16xf32>
      tpu.vector_store %arg7[%swap3A_367, %swap3A_368], %swap3A_371 {strides = array<i32>} : memref<128x256xf32, #tpu.memory_space<vmem>>, vector<1x16xf32>,
      %mul3A_372 = arith.constant 5.000000e-03 : f32
      %mul3A_373 = vector.broadcast %mul3A_372 : f32 to vector<16xf32>
      %mul3A_374 = arith.mulf %scan3A_287#11, %mul3A_373 : vector<16xf32>
      %swap3A_375 = arith.index_cast %add3A_292 : i32 to index
      %swap3A_376 = arith.constant 176 : index
      %swap3A_377 = tpu.vector_load %arg7[%swap3A_375, %swap3A_376] {strides = array<i32>} : memref<128x256xf32, #tpu.memory_space<vmem>>, vector<1x16xf32>,
      %swap3A_378 = vector.shape_cast %swap3A_377 : vector<1x16xf32> to vector<16xf32>
      %swap3A_379 = vector.shape_cast %mul3A_374 : vector<16xf32> to vector<1x16xf32>
      tpu.vector_store %arg7[%swap3A_375, %swap3A_376], %swap3A_379 {strides = array<i32>} : memref<128x256xf32, #tpu.memory_space<vmem>>, vector<1x16xf32>,
      %swap3A_380 = arith.index_cast %add3A_292 : i32 to index
      %swap3A_381 = arith.constant 240 : index
      %swap3A_382 = tpu.vector_load %arg7[%swap3A_380, %swap3A_381] {strides = array<i32>} : memref<128x256xf32, #tpu.memory_space<vmem>>, vector<1x16xf32>,
      %swap3A_383 = vector.shape_cast %swap3A_382 : vector<1x16xf32> to vector<16xf32>
      %swap3A_384 = vector.shape_cast %scan3A_287#11 : vector<16xf32> to vector<1x16xf32>
      tpu.vector_store %arg7[%swap3A_380, %swap3A_381], %swap3A_384 {strides = array<i32>} : memref<128x256xf32, #tpu.memory_space<vmem>>, vector<1x16xf32>,
      %lt3A = arith.constant 31 : i32
      %lt3A_385 = arith.cmpi slt, %scan3A_105, %lt3A : i32
      %convert_element_type3A = arith.extui %lt3A_385 : i1 to i32
      %cond3A = arith.constant 0 : i32
      %cond3A_386 = arith.cmpi ne, %convert_element_type3A, %cond3A : i32
      scf.if %cond3A_386 {
        %add3A_674 = arith.constant 2 : i32
        %add3A_675 = arith.addi %add3A_109, %add3A_674 : i32
        %mul3A_676 = arith.constant 4 : i32
        %mul3A_677 = arith.muli %add3A_675, %mul3A_676 : i32
        %add3A_678 = arith.constant 0 : i32
        %add3A_679 = arith.addi %mul3A_677, %add3A_678 : i32
        %dma_start3A_680 = arith.constant 0 : i32
        %dma_start3A_681 = arith.constant 0 : i32
        %dma_start3A_682 = arith.constant 0 : i32
        %dma_start3A_683 = tpu.memref_slice %arg6[%dma_start3A_680, %dma_start3A_681, %dma_start3A_682] : memref<2x400x64xf32, #tpu.memory_space<vmem>> -> memref<1x100x64xf32, #tpu.memory_space<vmem>>
        %dma_start3A_684 = tpu.memref_squeeze %dma_start3A_683 : memref<1x100x64xf32, #tpu.memory_space<vmem>> -> memref<100x64xf32, #tpu.memory_space<vmem>>
        %dma_start3A_685 = arith.constant 0 : i32
        %dma_start3A_686 = tpu.memref_slice %arg5[%add3A_679, %dma_start3A_685] : memref<256x100xi32, #tpu.memory_space<vmem>> -> memref<1x100xi32, #tpu.memory_space<vmem>>
        %dma_start3A_687 = tpu.memref_squeeze %dma_start3A_686 : memref<1x100xi32, #tpu.memory_space<vmem>> -> memref<100xi32, #tpu.memory_space<vmem>>
        %dma_start3A_688 = arith.constant 0 : i32
        %dma_start3A_689 = arith.constant 0 : i32
        %dma_start3A_690 = tpu.memref_slice %arg2[%dma_start3A_688, %dma_start3A_689] : memref<1000000x64xf32, #tpu.memory_space<hbm>> -> memref<1000000x64xf32, #tpu.memory_space<hbm>>
        tpu.enqueue_indirect_dma source(%dma_start3A_690 : memref<1000000x64xf32, #tpu.memory_space<hbm>>) target(%dma_start3A_684 : memref<100x64xf32, #tpu.memory_space<vmem>>) offsets(%dma_start3A_687 : memref<100xi32, #tpu.memory_space<vmem>>) semaphore(%arg8 : memref<!tpu.dma_semaphore, #tpu.memory_space<semaphore_mem>>)
        %mul3A_691 = arith.constant 4 : i32
        %mul3A_692 = arith.muli %add3A_675, %mul3A_691 : i32
        %add3A_693 = arith.constant 1 : i32
        %add3A_694 = arith.addi %mul3A_692, %add3A_693 : i32
        %dma_start3A_695 = arith.constant 0 : i32
        %dma_start3A_696 = arith.constant 100 : i32
        %dma_start3A_697 = arith.constant 0 : i32
        %dma_start3A_698 = tpu.memref_slice %arg6[%dma_start3A_695, %dma_start3A_696, %dma_start3A_697] : memref<2x400x64xf32, #tpu.memory_space<vmem>> -> memref<1x100x64xf32, #tpu.memory_space<vmem>>
        %dma_start3A_699 = tpu.memref_squeeze %dma_start3A_698 : memref<1x100x64xf32, #tpu.memory_space<vmem>> -> memref<100x64xf32, #tpu.memory_space<vmem>>
        %dma_start3A_700 = arith.constant 0 : i32
        %dma_start3A_701 = tpu.memref_slice %arg5[%add3A_694, %dma_start3A_700] : memref<256x100xi32, #tpu.memory_space<vmem>> -> memref<1x100xi32, #tpu.memory_space<vmem>>
        %dma_start3A_702 = tpu.memref_squeeze %dma_start3A_701 : memref<1x100xi32, #tpu.memory_space<vmem>> -> memref<100xi32, #tpu.memory_space<vmem>>
        %dma_start3A_703 = arith.constant 0 : i32
        %dma_start3A_704 = arith.constant 0 : i32
        %dma_start3A_705 = tpu.memref_slice %arg2[%dma_start3A_703, %dma_start3A_704] : memref<1000000x64xf32, #tpu.memory_space<hbm>> -> memref<1000000x64xf32, #tpu.memory_space<hbm>>
        tpu.enqueue_indirect_dma source(%dma_start3A_705 : memref<1000000x64xf32, #tpu.memory_space<hbm>>) target(%dma_start3A_699 : memref<100x64xf32, #tpu.memory_space<vmem>>) offsets(%dma_start3A_702 : memref<100xi32, #tpu.memory_space<vmem>>) semaphore(%arg8 : memref<!tpu.dma_semaphore, #tpu.memory_space<semaphore_mem>>)
        %mul3A_706 = arith.constant 4 : i32
        %mul3A_707 = arith.muli %add3A_675, %mul3A_706 : i32
        %add3A_708 = arith.constant 2 : i32
        %add3A_709 = arith.addi %mul3A_707, %add3A_708 : i32
        %dma_start3A_710 = arith.constant 0 : i32
        %dma_start3A_711 = arith.constant 200 : i32
        %dma_start3A_712 = arith.constant 0 : i32
        %dma_start3A_713 = tpu.memref_slice %arg6[%dma_start3A_710, %dma_start3A_711, %dma_start3A_712] : memref<2x400x64xf32, #tpu.memory_space<vmem>> -> memref<1x100x64xf32, #tpu.memory_space<vmem>>
        %dma_start3A_714 = tpu.memref_squeeze %dma_start3A_713 : memref<1x100x64xf32, #tpu.memory_space<vmem>> -> memref<100x64xf32, #tpu.memory_space<vmem>>
        %dma_start3A_715 = arith.constant 0 : i32
        %dma_start3A_716 = tpu.memref_slice %arg5[%add3A_709, %dma_start3A_715] : memref<256x100xi32, #tpu.memory_space<vmem>> -> memref<1x100xi32, #tpu.memory_space<vmem>>
        %dma_start3A_717 = tpu.memref_squeeze %dma_start3A_716 : memref<1x100xi32, #tpu.memory_space<vmem>> -> memref<100xi32, #tpu.memory_space<vmem>>
        %dma_start3A_718 = arith.constant 0 : i32
        %dma_start3A_719 = arith.constant 0 : i32
        %dma_start3A_720 = tpu.memref_slice %arg2[%dma_start3A_718, %dma_start3A_719] : memref<1000000x64xf32, #tpu.memory_space<hbm>> -> memref<1000000x64xf32, #tpu.memory_space<hbm>>
        tpu.enqueue_indirect_dma source(%dma_start3A_720 : memref<1000000x64xf32, #tpu.memory_space<hbm>>) target(%dma_start3A_714 : memref<100x64xf32, #tpu.memory_space<vmem>>) offsets(%dma_start3A_717 : memref<100xi32, #tpu.memory_space<vmem>>) semaphore(%arg8 : memref<!tpu.dma_semaphore, #tpu.memory_space<semaphore_mem>>)
        %mul3A_721 = arith.constant 4 : i32
        %mul3A_722 = arith.muli %add3A_675, %mul3A_721 : i32
        %add3A_723 = arith.constant 3 : i32
        %add3A_724 = arith.addi %mul3A_722, %add3A_723 : i32
        %dma_start3A_725 = arith.constant 0 : i32
        %dma_start3A_726 = arith.constant 300 : i32
        %dma_start3A_727 = arith.constant 0 : i32
        %dma_start3A_728 = tpu.memref_slice %arg6[%dma_start3A_725, %dma_start3A_726, %dma_start3A_727] : memref<2x400x64xf32, #tpu.memory_space<vmem>> -> memref<1x100x64xf32, #tpu.memory_space<vmem>>
        %dma_start3A_729 = tpu.memref_squeeze %dma_start3A_728 : memref<1x100x64xf32, #tpu.memory_space<vmem>> -> memref<100x64xf32, #tpu.memory_space<vmem>>
        %dma_start3A_730 = arith.constant 0 : i32
        %dma_start3A_731 = tpu.memref_slice %arg5[%add3A_724, %dma_start3A_730] : memref<256x100xi32, #tpu.memory_space<vmem>> -> memref<1x100xi32, #tpu.memory_space<vmem>>
        %dma_start3A_732 = tpu.memref_squeeze %dma_start3A_731 : memref<1x100xi32, #tpu.memory_space<vmem>> -> memref<100xi32, #tpu.memory_space<vmem>>
        %dma_start3A_733 = arith.constant 0 : i32
        %dma_start3A_734 = arith.constant 0 : i32
        %dma_start3A_735 = tpu.memref_slice %arg2[%dma_start3A_733, %dma_start3A_734] : memref<1000000x64xf32, #tpu.memory_space<hbm>> -> memref<1000000x64xf32, #tpu.memory_space<hbm>>
        tpu.enqueue_indirect_dma source(%dma_start3A_735 : memref<1000000x64xf32, #tpu.memory_space<hbm>>) target(%dma_start3A_729 : memref<100x64xf32, #tpu.memory_space<vmem>>) offsets(%dma_start3A_732 : memref<100xi32, #tpu.memory_space<vmem>>) semaphore(%arg8 : memref<!tpu.dma_semaphore, #tpu.memory_space<semaphore_mem>>)
      } else {
      }
      %mul3A_387 = arith.constant 2 : i32
      %mul3A_388 = arith.muli %mul3A_387, %scan3A_105 : i32
      %add3A_389 = arith.constant 1 : i32
      %add3A_390 = arith.addi %mul3A_388, %add3A_389 : i32
      %mul3A_391 = arith.constant 4 : i32
      %mul3A_392 = arith.muli %add3A_390, %mul3A_391 : i32
      %add3A_393 = arith.constant 0 : i32
      %add3A_394 = arith.addi %mul3A_392, %add3A_393 : i32
      %dma_wait3A_395 = arith.constant 1 : i32
      %dma_wait3A_396 = arith.constant 0 : i32
      %dma_wait3A_397 = arith.constant 0 : i32
      %dma_wait3A_398 = tpu.memref_slice %arg6[%dma_wait3A_395, %dma_wait3A_396, %dma_wait3A_397] : memref<2x400x64xf32, #tpu.memory_space<vmem>> -> memref<1x100x64xf32, #tpu.memory_space<vmem>>
      %dma_wait3A_399 = tpu.memref_squeeze %dma_wait3A_398 : memref<1x100x64xf32, #tpu.memory_space<vmem>> -> memref<100x64xf32, #tpu.memory_space<vmem>>
      %dma_wait3A_400 = arith.constant 0 : i32
      %dma_wait3A_401 = tpu.memref_slice %arg5[%add3A_394, %dma_wait3A_400] : memref<256x100xi32, #tpu.memory_space<vmem>> -> memref<1x100xi32, #tpu.memory_space<vmem>>
      %dma_wait3A_402 = tpu.memref_squeeze %dma_wait3A_401 : memref<1x100xi32, #tpu.memory_space<vmem>> -> memref<100xi32, #tpu.memory_space<vmem>>
      %dma_wait3A_403 = arith.constant 0 : i32
      %dma_wait3A_404 = arith.constant 0 : i32
      %dma_wait3A_405 = tpu.memref_slice %arg2[%dma_wait3A_403, %dma_wait3A_404] : memref<1000000x64xf32, #tpu.memory_space<hbm>> -> memref<1000000x64xf32, #tpu.memory_space<hbm>>
      tpu.wait_indirect_dma semaphore(%arg9 : memref<!tpu.dma_semaphore, #tpu.memory_space<semaphore_mem>>) src(%dma_wait3A_405 : memref<1000000x64xf32, #tpu.memory_space<hbm>>) dst(%dma_wait3A_399 : memref<100x64xf32, #tpu.memory_space<vmem>>)
      %mul3A_406 = arith.constant 4 : i32
      %mul3A_407 = arith.muli %add3A_390, %mul3A_406 : i32
      %add3A_408 = arith.constant 1 : i32
      %add3A_409 = arith.addi %mul3A_407, %add3A_408 : i32
      %dma_wait3A_410 = arith.constant 1 : i32
      %dma_wait3A_411 = arith.constant 100 : i32
      %dma_wait3A_412 = arith.constant 0 : i32
      %dma_wait3A_413 = tpu.memref_slice %arg6[%dma_wait3A_410, %dma_wait3A_411, %dma_wait3A_412] : memref<2x400x64xf32, #tpu.memory_space<vmem>> -> memref<1x100x64xf32, #tpu.memory_space<vmem>>
      %dma_wait3A_414 = tpu.memref_squeeze %dma_wait3A_413 : memref<1x100x64xf32, #tpu.memory_space<vmem>> -> memref<100x64xf32, #tpu.memory_space<vmem>>
      %dma_wait3A_415 = arith.constant 0 : i32
      %dma_wait3A_416 = tpu.memref_slice %arg5[%add3A_409, %dma_wait3A_415] : memref<256x100xi32, #tpu.memory_space<vmem>> -> memref<1x100xi32, #tpu.memory_space<vmem>>
      %dma_wait3A_417 = tpu.memref_squeeze %dma_wait3A_416 : memref<1x100xi32, #tpu.memory_space<vmem>> -> memref<100xi32, #tpu.memory_space<vmem>>
      %dma_wait3A_418 = arith.constant 0 : i32
      %dma_wait3A_419 = arith.constant 0 : i32
      %dma_wait3A_420 = tpu.memref_slice %arg2[%dma_wait3A_418, %dma_wait3A_419] : memref<1000000x64xf32, #tpu.memory_space<hbm>> -> memref<1000000x64xf32, #tpu.memory_space<hbm>>
      tpu.wait_indirect_dma semaphore(%arg9 : memref<!tpu.dma_semaphore, #tpu.memory_space<semaphore_mem>>) src(%dma_wait3A_420 : memref<1000000x64xf32, #tpu.memory_space<hbm>>) dst(%dma_wait3A_414 : memref<100x64xf32, #tpu.memory_space<vmem>>)
      %mul3A_421 = arith.constant 4 : i32
      %mul3A_422 = arith.muli %add3A_390, %mul3A_421 : i32
      %add3A_423 = arith.constant 2 : i32
      %add3A_424 = arith.addi %mul3A_422, %add3A_423 : i32
      %dma_wait3A_425 = arith.constant 1 : i32
      %dma_wait3A_426 = arith.constant 200 : i32
      %dma_wait3A_427 = arith.constant 0 : i32
      %dma_wait3A_428 = tpu.memref_slice %arg6[%dma_wait3A_425, %dma_wait3A_426, %dma_wait3A_427] : memref<2x400x64xf32, #tpu.memory_space<vmem>> -> memref<1x100x64xf32, #tpu.memory_space<vmem>>
      %dma_wait3A_429 = tpu.memref_squeeze %dma_wait3A_428 : memref<1x100x64xf32, #tpu.memory_space<vmem>> -> memref<100x64xf32, #tpu.memory_space<vmem>>
      %dma_wait3A_430 = arith.constant 0 : i32
      %dma_wait3A_431 = tpu.memref_slice %arg5[%add3A_424, %dma_wait3A_430] : memref<256x100xi32, #tpu.memory_space<vmem>> -> memref<1x100xi32, #tpu.memory_space<vmem>>
      %dma_wait3A_432 = tpu.memref_squeeze %dma_wait3A_431 : memref<1x100xi32, #tpu.memory_space<vmem>> -> memref<100xi32, #tpu.memory_space<vmem>>
      %dma_wait3A_433 = arith.constant 0 : i32
      %dma_wait3A_434 = arith.constant 0 : i32
      %dma_wait3A_435 = tpu.memref_slice %arg2[%dma_wait3A_433, %dma_wait3A_434] : memref<1000000x64xf32, #tpu.memory_space<hbm>> -> memref<1000000x64xf32, #tpu.memory_space<hbm>>
      tpu.wait_indirect_dma semaphore(%arg9 : memref<!tpu.dma_semaphore, #tpu.memory_space<semaphore_mem>>) src(%dma_wait3A_435 : memref<1000000x64xf32, #tpu.memory_space<hbm>>) dst(%dma_wait3A_429 : memref<100x64xf32, #tpu.memory_space<vmem>>)
      %mul3A_436 = arith.constant 4 : i32
      %mul3A_437 = arith.muli %add3A_390, %mul3A_436 : i32
      %add3A_438 = arith.constant 3 : i32
      %add3A_439 = arith.addi %mul3A_437, %add3A_438 : i32
      %dma_wait3A_440 = arith.constant 1 : i32
      %dma_wait3A_441 = arith.constant 300 : i32
      %dma_wait3A_442 = arith.constant 0 : i32
      %dma_wait3A_443 = tpu.memref_slice %arg6[%dma_wait3A_440, %dma_wait3A_441, %dma_wait3A_442] : memref<2x400x64xf32, #tpu.memory_space<vmem>> -> memref<1x100x64xf32, #tpu.memory_space<vmem>>
      %dma_wait3A_444 = tpu.memref_squeeze %dma_wait3A_443 : memref<1x100x64xf32, #tpu.memory_space<vmem>> -> memref<100x64xf32, #tpu.memory_space<vmem>>
      %dma_wait3A_445 = arith.constant 0 : i32
      %dma_wait3A_446 = tpu.memref_slice %arg5[%add3A_439, %dma_wait3A_445] : memref<256x100xi32, #tpu.memory_space<vmem>> -> memref<1x100xi32, #tpu.memory_space<vmem>>
      %dma_wait3A_447 = tpu.memref_squeeze %dma_wait3A_446 : memref<1x100xi32, #tpu.memory_space<vmem>> -> memref<100xi32, #tpu.memory_space<vmem>>
      %dma_wait3A_448 = arith.constant 0 : i32
      %dma_wait3A_449 = arith.constant 0 : i32
      %dma_wait3A_450 = tpu.memref_slice %arg2[%dma_wait3A_448, %dma_wait3A_449] : memref<1000000x64xf32, #tpu.memory_space<hbm>> -> memref<1000000x64xf32, #tpu.memory_space<hbm>>
      tpu.wait_indirect_dma semaphore(%arg9 : memref<!tpu.dma_semaphore, #tpu.memory_space<semaphore_mem>>) src(%dma_wait3A_450 : memref<1000000x64xf32, #tpu.memory_space<hbm>>) dst(%dma_wait3A_444 : memref<100x64xf32, #tpu.memory_space<vmem>>)
      %broadcast_in_dim3A_451 = arith.constant 0xFF800000 : f32
      %broadcast_in_dim3A_452 = vector.broadcast %broadcast_in_dim3A_451 : f32 to vector<16xf32>
      %broadcast_in_dim3A_453 = arith.constant 0x7F800000 : f32
      %broadcast_in_dim3A_454 = vector.broadcast %broadcast_in_dim3A_453 : f32 to vector<16xf32>
      %broadcast_in_dim3A_455 = arith.constant 0.000000e+00 : f32
      %broadcast_in_dim3A_456 = vector.broadcast %broadcast_in_dim3A_455 : f32 to vector<16xf32>
      %scan3A_457 = arith.constant 1 : i32
      %scan3A_458 = arith.constant 0 : i32
      %scan3A_459 = arith.constant 50 : i32
      %scan3A_460 = arith.addi %scan3A_458, %scan3A_459 : i32
      %scan3A_461 = arith.constant 1 : i32
      %scan3A_462:12 = scf.for %scan3A_674 = %scan3A_458 to %scan3A_460 step %scan3A_461 iter_args(%scan3A_675 = %broadcast_in_dim3A_452, %scan3A_676 = %broadcast_in_dim3A_452, %scan3A_677 = %broadcast_in_dim3A_452, %scan3A_678 = %broadcast_in_dim3A_452, %scan3A_679 = %broadcast_in_dim3A_454, %scan3A_680 = %broadcast_in_dim3A_454, %scan3A_681 = %broadcast_in_dim3A_454, %scan3A_682 = %broadcast_in_dim3A_454, %scan3A_683 = %broadcast_in_dim3A_456, %scan3A_684 = %broadcast_in_dim3A_456, %scan3A_685 = %broadcast_in_dim3A_456, %scan3A_686 = %broadcast_in_dim3A_456) -> (vector<16xf32>, vector<16xf32>, vector<16xf32>, vector<16xf32>, vector<16xf32>, vector<16xf32>, vector<16xf32>, vector<16xf32>, vector<16xf32>, vector<16xf32>, vector<16xf32>, vector<16xf32>)  : i32 {
        %mul3A_687 = arith.constant 4 : i32
        %mul3A_688 = arith.muli %scan3A_674, %mul3A_687 : i32
        %add3A_689 = arith.constant 0 : i32
        %add3A_690 = arith.addi %add3A_689, %mul3A_688 : i32
        %add3A_691 = arith.constant 0 : i32
        %add3A_692 = arith.addi %add3A_690, %add3A_691 : i32
        %get3A = arith.constant 0 : i32
        %get3A_693 = arith.constant 0 : i32
        %get3A_694 = tpu.memref_slice %arg6[%scan3A_457, %get3A, %get3A_693] : memref<2x400x64xf32, #tpu.memory_space<vmem>> -> memref<1x400x64xf32, #tpu.memory_space<vmem>>
        %get3A_695 = tpu.memref_squeeze %get3A_694 : memref<1x400x64xf32, #tpu.memory_space<vmem>> -> memref<400x64xf32, #tpu.memory_space<vmem>>
        %get3A_696 = arith.index_cast %add3A_692 : i32 to index
        %get3A_697 = arith.constant 0 : index
        %get3A_698 = tpu.vector_load %get3A_695[%get3A_696, %get3A_697] {strides = array<i32>} : memref<400x64xf32, #tpu.memory_space<vmem>>, vector<1x16xf32>,
        %get3A_699 = vector.shape_cast %get3A_698 : vector<1x16xf32> to vector<16xf32>
        %max3A = arith.maximumf %scan3A_675, %get3A_699 : vector<16xf32>
        %min3A = arith.minimumf %scan3A_679, %get3A_699 : vector<16xf32>
        %add3A_700 = arith.addf %scan3A_683, %get3A_699 : vector<16xf32>
        %get3A_701 = arith.constant 0 : i32
        %get3A_702 = arith.constant 0 : i32
        %get3A_703 = tpu.memref_slice %arg6[%scan3A_457, %get3A_701, %get3A_702] : memref<2x400x64xf32, #tpu.memory_space<vmem>> -> memref<1x400x64xf32, #tpu.memory_space<vmem>>
        %get3A_704 = tpu.memref_squeeze %get3A_703 : memref<1x400x64xf32, #tpu.memory_space<vmem>> -> memref<400x64xf32, #tpu.memory_space<vmem>>
        %get3A_705 = arith.index_cast %add3A_692 : i32 to index
        %get3A_706 = arith.constant 16 : index
        %get3A_707 = tpu.vector_load %get3A_704[%get3A_705, %get3A_706] {strides = array<i32>} : memref<400x64xf32, #tpu.memory_space<vmem>>, vector<1x16xf32>,
        %get3A_708 = vector.shape_cast %get3A_707 : vector<1x16xf32> to vector<16xf32>
        %max3A_709 = arith.maximumf %scan3A_676, %get3A_708 : vector<16xf32>
        %min3A_710 = arith.minimumf %scan3A_680, %get3A_708 : vector<16xf32>
        %add3A_711 = arith.addf %scan3A_684, %get3A_708 : vector<16xf32>
        %get3A_712 = arith.constant 0 : i32
        %get3A_713 = arith.constant 0 : i32
        %get3A_714 = tpu.memref_slice %arg6[%scan3A_457, %get3A_712, %get3A_713] : memref<2x400x64xf32, #tpu.memory_space<vmem>> -> memref<1x400x64xf32, #tpu.memory_space<vmem>>
        %get3A_715 = tpu.memref_squeeze %get3A_714 : memref<1x400x64xf32, #tpu.memory_space<vmem>> -> memref<400x64xf32, #tpu.memory_space<vmem>>
        %get3A_716 = arith.index_cast %add3A_692 : i32 to index
        %get3A_717 = arith.constant 32 : index
        %get3A_718 = tpu.vector_load %get3A_715[%get3A_716, %get3A_717] {strides = array<i32>} : memref<400x64xf32, #tpu.memory_space<vmem>>, vector<1x16xf32>,
        %get3A_719 = vector.shape_cast %get3A_718 : vector<1x16xf32> to vector<16xf32>
        %max3A_720 = arith.maximumf %scan3A_677, %get3A_719 : vector<16xf32>
        %min3A_721 = arith.minimumf %scan3A_681, %get3A_719 : vector<16xf32>
        %add3A_722 = arith.addf %scan3A_685, %get3A_719 : vector<16xf32>
        %get3A_723 = arith.constant 0 : i32
        %get3A_724 = arith.constant 0 : i32
        %get3A_725 = tpu.memref_slice %arg6[%scan3A_457, %get3A_723, %get3A_724] : memref<2x400x64xf32, #tpu.memory_space<vmem>> -> memref<1x400x64xf32, #tpu.memory_space<vmem>>
        %get3A_726 = tpu.memref_squeeze %get3A_725 : memref<1x400x64xf32, #tpu.memory_space<vmem>> -> memref<400x64xf32, #tpu.memory_space<vmem>>
        %get3A_727 = arith.index_cast %add3A_692 : i32 to index
        %get3A_728 = arith.constant 48 : index
        %get3A_729 = tpu.vector_load %get3A_726[%get3A_727, %get3A_728] {strides = array<i32>} : memref<400x64xf32, #tpu.memory_space<vmem>>, vector<1x16xf32>,
        %get3A_730 = vector.shape_cast %get3A_729 : vector<1x16xf32> to vector<16xf32>
        %max3A_731 = arith.maximumf %scan3A_678, %get3A_730 : vector<16xf32>
        %min3A_732 = arith.minimumf %scan3A_682, %get3A_730 : vector<16xf32>
        %add3A_733 = arith.addf %scan3A_686, %get3A_730 : vector<16xf32>
        %mul3A_734 = arith.constant 4 : i32
        %mul3A_735 = arith.muli %scan3A_674, %mul3A_734 : i32
        %add3A_736 = arith.constant 0 : i32
        %add3A_737 = arith.addi %add3A_736, %mul3A_735 : i32
        %add3A_738 = arith.constant 1 : i32
        %add3A_739 = arith.addi %add3A_737, %add3A_738 : i32
        %get3A_740 = arith.constant 0 : i32
        %get3A_741 = arith.constant 0 : i32
        %get3A_742 = tpu.memref_slice %arg6[%scan3A_457, %get3A_740, %get3A_741] : memref<2x400x64xf32, #tpu.memory_space<vmem>> -> memref<1x400x64xf32, #tpu.memory_space<vmem>>
        %get3A_743 = tpu.memref_squeeze %get3A_742 : memref<1x400x64xf32, #tpu.memory_space<vmem>> -> memref<400x64xf32, #tpu.memory_space<vmem>>
        %get3A_744 = arith.index_cast %add3A_739 : i32 to index
        %get3A_745 = arith.constant 0 : index
        %get3A_746 = tpu.vector_load %get3A_743[%get3A_744, %get3A_745] {strides = array<i32>} : memref<400x64xf32, #tpu.memory_space<vmem>>, vector<1x16xf32>,
        %get3A_747 = vector.shape_cast %get3A_746 : vector<1x16xf32> to vector<16xf32>
        %max3A_748 = arith.maximumf %max3A, %get3A_747 : vector<16xf32>
        %min3A_749 = arith.minimumf %min3A, %get3A_747 : vector<16xf32>
        %add3A_750 = arith.addf %add3A_700, %get3A_747 : vector<16xf32>
        %get3A_751 = arith.constant 0 : i32
        %get3A_752 = arith.constant 0 : i32
        %get3A_753 = tpu.memref_slice %arg6[%scan3A_457, %get3A_751, %get3A_752] : memref<2x400x64xf32, #tpu.memory_space<vmem>> -> memref<1x400x64xf32, #tpu.memory_space<vmem>>
        %get3A_754 = tpu.memref_squeeze %get3A_753 : memref<1x400x64xf32, #tpu.memory_space<vmem>> -> memref<400x64xf32, #tpu.memory_space<vmem>>
        %get3A_755 = arith.index_cast %add3A_739 : i32 to index
        %get3A_756 = arith.constant 16 : index
        %get3A_757 = tpu.vector_load %get3A_754[%get3A_755, %get3A_756] {strides = array<i32>} : memref<400x64xf32, #tpu.memory_space<vmem>>, vector<1x16xf32>,
        %get3A_758 = vector.shape_cast %get3A_757 : vector<1x16xf32> to vector<16xf32>
        %max3A_759 = arith.maximumf %max3A_709, %get3A_758 : vector<16xf32>
        %min3A_760 = arith.minimumf %min3A_710, %get3A_758 : vector<16xf32>
        %add3A_761 = arith.addf %add3A_711, %get3A_758 : vector<16xf32>
        %get3A_762 = arith.constant 0 : i32
        %get3A_763 = arith.constant 0 : i32
        %get3A_764 = tpu.memref_slice %arg6[%scan3A_457, %get3A_762, %get3A_763] : memref<2x400x64xf32, #tpu.memory_space<vmem>> -> memref<1x400x64xf32, #tpu.memory_space<vmem>>
        %get3A_765 = tpu.memref_squeeze %get3A_764 : memref<1x400x64xf32, #tpu.memory_space<vmem>> -> memref<400x64xf32, #tpu.memory_space<vmem>>
        %get3A_766 = arith.index_cast %add3A_739 : i32 to index
        %get3A_767 = arith.constant 32 : index
        %get3A_768 = tpu.vector_load %get3A_765[%get3A_766, %get3A_767] {strides = array<i32>} : memref<400x64xf32, #tpu.memory_space<vmem>>, vector<1x16xf32>,
        %get3A_769 = vector.shape_cast %get3A_768 : vector<1x16xf32> to vector<16xf32>
        %max3A_770 = arith.maximumf %max3A_720, %get3A_769 : vector<16xf32>
        %min3A_771 = arith.minimumf %min3A_721, %get3A_769 : vector<16xf32>
        %add3A_772 = arith.addf %add3A_722, %get3A_769 : vector<16xf32>
        %get3A_773 = arith.constant 0 : i32
        %get3A_774 = arith.constant 0 : i32
        %get3A_775 = tpu.memref_slice %arg6[%scan3A_457, %get3A_773, %get3A_774] : memref<2x400x64xf32, #tpu.memory_space<vmem>> -> memref<1x400x64xf32, #tpu.memory_space<vmem>>
        %get3A_776 = tpu.memref_squeeze %get3A_775 : memref<1x400x64xf32, #tpu.memory_space<vmem>> -> memref<400x64xf32, #tpu.memory_space<vmem>>
        %get3A_777 = arith.index_cast %add3A_739 : i32 to index
        %get3A_778 = arith.constant 48 : index
        %get3A_779 = tpu.vector_load %get3A_776[%get3A_777, %get3A_778] {strides = array<i32>} : memref<400x64xf32, #tpu.memory_space<vmem>>, vector<1x16xf32>,
        %get3A_780 = vector.shape_cast %get3A_779 : vector<1x16xf32> to vector<16xf32>
        %max3A_781 = arith.maximumf %max3A_731, %get3A_780 : vector<16xf32>
        %min3A_782 = arith.minimumf %min3A_732, %get3A_780 : vector<16xf32>
        %add3A_783 = arith.addf %add3A_733, %get3A_780 : vector<16xf32>
        %mul3A_784 = arith.constant 4 : i32
        %mul3A_785 = arith.muli %scan3A_674, %mul3A_784 : i32
        %add3A_786 = arith.constant 0 : i32
        %add3A_787 = arith.addi %add3A_786, %mul3A_785 : i32
        %add3A_788 = arith.constant 2 : i32
        %add3A_789 = arith.addi %add3A_787, %add3A_788 : i32
        %get3A_790 = arith.constant 0 : i32
        %get3A_791 = arith.constant 0 : i32
        %get3A_792 = tpu.memref_slice %arg6[%scan3A_457, %get3A_790, %get3A_791] : memref<2x400x64xf32, #tpu.memory_space<vmem>> -> memref<1x400x64xf32, #tpu.memory_space<vmem>>
        %get3A_793 = tpu.memref_squeeze %get3A_792 : memref<1x400x64xf32, #tpu.memory_space<vmem>> -> memref<400x64xf32, #tpu.memory_space<vmem>>
        %get3A_794 = arith.index_cast %add3A_789 : i32 to index
        %get3A_795 = arith.constant 0 : index
        %get3A_796 = tpu.vector_load %get3A_793[%get3A_794, %get3A_795] {strides = array<i32>} : memref<400x64xf32, #tpu.memory_space<vmem>>, vector<1x16xf32>,
        %get3A_797 = vector.shape_cast %get3A_796 : vector<1x16xf32> to vector<16xf32>
        %max3A_798 = arith.maximumf %max3A_748, %get3A_797 : vector<16xf32>
        %min3A_799 = arith.minimumf %min3A_749, %get3A_797 : vector<16xf32>
        %add3A_800 = arith.addf %add3A_750, %get3A_797 : vector<16xf32>
        %get3A_801 = arith.constant 0 : i32
        %get3A_802 = arith.constant 0 : i32
        %get3A_803 = tpu.memref_slice %arg6[%scan3A_457, %get3A_801, %get3A_802] : memref<2x400x64xf32, #tpu.memory_space<vmem>> -> memref<1x400x64xf32, #tpu.memory_space<vmem>>
        %get3A_804 = tpu.memref_squeeze %get3A_803 : memref<1x400x64xf32, #tpu.memory_space<vmem>> -> memref<400x64xf32, #tpu.memory_space<vmem>>
        %get3A_805 = arith.index_cast %add3A_789 : i32 to index
        %get3A_806 = arith.constant 16 : index
        %get3A_807 = tpu.vector_load %get3A_804[%get3A_805, %get3A_806] {strides = array<i32>} : memref<400x64xf32, #tpu.memory_space<vmem>>, vector<1x16xf32>,
        %get3A_808 = vector.shape_cast %get3A_807 : vector<1x16xf32> to vector<16xf32>
        %max3A_809 = arith.maximumf %max3A_759, %get3A_808 : vector<16xf32>
        %min3A_810 = arith.minimumf %min3A_760, %get3A_808 : vector<16xf32>
        %add3A_811 = arith.addf %add3A_761, %get3A_808 : vector<16xf32>
        %get3A_812 = arith.constant 0 : i32
        %get3A_813 = arith.constant 0 : i32
        %get3A_814 = tpu.memref_slice %arg6[%scan3A_457, %get3A_812, %get3A_813] : memref<2x400x64xf32, #tpu.memory_space<vmem>> -> memref<1x400x64xf32, #tpu.memory_space<vmem>>
        %get3A_815 = tpu.memref_squeeze %get3A_814 : memref<1x400x64xf32, #tpu.memory_space<vmem>> -> memref<400x64xf32, #tpu.memory_space<vmem>>
        %get3A_816 = arith.index_cast %add3A_789 : i32 to index
        %get3A_817 = arith.constant 32 : index
        %get3A_818 = tpu.vector_load %get3A_815[%get3A_816, %get3A_817] {strides = array<i32>} : memref<400x64xf32, #tpu.memory_space<vmem>>, vector<1x16xf32>,
        %get3A_819 = vector.shape_cast %get3A_818 : vector<1x16xf32> to vector<16xf32>
        %max3A_820 = arith.maximumf %max3A_770, %get3A_819 : vector<16xf32>
        %min3A_821 = arith.minimumf %min3A_771, %get3A_819 : vector<16xf32>
        %add3A_822 = arith.addf %add3A_772, %get3A_819 : vector<16xf32>
        %get3A_823 = arith.constant 0 : i32
        %get3A_824 = arith.constant 0 : i32
        %get3A_825 = tpu.memref_slice %arg6[%scan3A_457, %get3A_823, %get3A_824] : memref<2x400x64xf32, #tpu.memory_space<vmem>> -> memref<1x400x64xf32, #tpu.memory_space<vmem>>
        %get3A_826 = tpu.memref_squeeze %get3A_825 : memref<1x400x64xf32, #tpu.memory_space<vmem>> -> memref<400x64xf32, #tpu.memory_space<vmem>>
        %get3A_827 = arith.index_cast %add3A_789 : i32 to index
        %get3A_828 = arith.constant 48 : index
        %get3A_829 = tpu.vector_load %get3A_826[%get3A_827, %get3A_828] {strides = array<i32>} : memref<400x64xf32, #tpu.memory_space<vmem>>, vector<1x16xf32>,
        %get3A_830 = vector.shape_cast %get3A_829 : vector<1x16xf32> to vector<16xf32>
        %max3A_831 = arith.maximumf %max3A_781, %get3A_830 : vector<16xf32>
        %min3A_832 = arith.minimumf %min3A_782, %get3A_830 : vector<16xf32>
        %add3A_833 = arith.addf %add3A_783, %get3A_830 : vector<16xf32>
        %mul3A_834 = arith.constant 4 : i32
        %mul3A_835 = arith.muli %scan3A_674, %mul3A_834 : i32
        %add3A_836 = arith.constant 0 : i32
        %add3A_837 = arith.addi %add3A_836, %mul3A_835 : i32
        %add3A_838 = arith.constant 3 : i32
        %add3A_839 = arith.addi %add3A_837, %add3A_838 : i32
        %get3A_840 = arith.constant 0 : i32
        %get3A_841 = arith.constant 0 : i32
        %get3A_842 = tpu.memref_slice %arg6[%scan3A_457, %get3A_840, %get3A_841] : memref<2x400x64xf32, #tpu.memory_space<vmem>> -> memref<1x400x64xf32, #tpu.memory_space<vmem>>
        %get3A_843 = tpu.memref_squeeze %get3A_842 : memref<1x400x64xf32, #tpu.memory_space<vmem>> -> memref<400x64xf32, #tpu.memory_space<vmem>>
        %get3A_844 = arith.index_cast %add3A_839 : i32 to index
        %get3A_845 = arith.constant 0 : index
        %get3A_846 = tpu.vector_load %get3A_843[%get3A_844, %get3A_845] {strides = array<i32>} : memref<400x64xf32, #tpu.memory_space<vmem>>, vector<1x16xf32>,
        %get3A_847 = vector.shape_cast %get3A_846 : vector<1x16xf32> to vector<16xf32>
        %max3A_848 = arith.maximumf %max3A_798, %get3A_847 : vector<16xf32>
        %min3A_849 = arith.minimumf %min3A_799, %get3A_847 : vector<16xf32>
        %add3A_850 = arith.addf %add3A_800, %get3A_847 : vector<16xf32>
        %get3A_851 = arith.constant 0 : i32
        %get3A_852 = arith.constant 0 : i32
        %get3A_853 = tpu.memref_slice %arg6[%scan3A_457, %get3A_851, %get3A_852] : memref<2x400x64xf32, #tpu.memory_space<vmem>> -> memref<1x400x64xf32, #tpu.memory_space<vmem>>
        %get3A_854 = tpu.memref_squeeze %get3A_853 : memref<1x400x64xf32, #tpu.memory_space<vmem>> -> memref<400x64xf32, #tpu.memory_space<vmem>>
        %get3A_855 = arith.index_cast %add3A_839 : i32 to index
        %get3A_856 = arith.constant 16 : index
        %get3A_857 = tpu.vector_load %get3A_854[%get3A_855, %get3A_856] {strides = array<i32>} : memref<400x64xf32, #tpu.memory_space<vmem>>, vector<1x16xf32>,
        %get3A_858 = vector.shape_cast %get3A_857 : vector<1x16xf32> to vector<16xf32>
        %max3A_859 = arith.maximumf %max3A_809, %get3A_858 : vector<16xf32>
        %min3A_860 = arith.minimumf %min3A_810, %get3A_858 : vector<16xf32>
        %add3A_861 = arith.addf %add3A_811, %get3A_858 : vector<16xf32>
        %get3A_862 = arith.constant 0 : i32
        %get3A_863 = arith.constant 0 : i32
        %get3A_864 = tpu.memref_slice %arg6[%scan3A_457, %get3A_862, %get3A_863] : memref<2x400x64xf32, #tpu.memory_space<vmem>> -> memref<1x400x64xf32, #tpu.memory_space<vmem>>
        %get3A_865 = tpu.memref_squeeze %get3A_864 : memref<1x400x64xf32, #tpu.memory_space<vmem>> -> memref<400x64xf32, #tpu.memory_space<vmem>>
        %get3A_866 = arith.index_cast %add3A_839 : i32 to index
        %get3A_867 = arith.constant 32 : index
        %get3A_868 = tpu.vector_load %get3A_865[%get3A_866, %get3A_867] {strides = array<i32>} : memref<400x64xf32, #tpu.memory_space<vmem>>, vector<1x16xf32>,
        %get3A_869 = vector.shape_cast %get3A_868 : vector<1x16xf32> to vector<16xf32>
        %max3A_870 = arith.maximumf %max3A_820, %get3A_869 : vector<16xf32>
        %min3A_871 = arith.minimumf %min3A_821, %get3A_869 : vector<16xf32>
        %add3A_872 = arith.addf %add3A_822, %get3A_869 : vector<16xf32>
        %get3A_873 = arith.constant 0 : i32
        %get3A_874 = arith.constant 0 : i32
        %get3A_875 = tpu.memref_slice %arg6[%scan3A_457, %get3A_873, %get3A_874] : memref<2x400x64xf32, #tpu.memory_space<vmem>> -> memref<1x400x64xf32, #tpu.memory_space<vmem>>
        %get3A_876 = tpu.memref_squeeze %get3A_875 : memref<1x400x64xf32, #tpu.memory_space<vmem>> -> memref<400x64xf32, #tpu.memory_space<vmem>>
        %get3A_877 = arith.index_cast %add3A_839 : i32 to index
        %get3A_878 = arith.constant 48 : index
        %get3A_879 = tpu.vector_load %get3A_876[%get3A_877, %get3A_878] {strides = array<i32>} : memref<400x64xf32, #tpu.memory_space<vmem>>, vector<1x16xf32>,
        %get3A_880 = vector.shape_cast %get3A_879 : vector<1x16xf32> to vector<16xf32>
        %max3A_881 = arith.maximumf %max3A_831, %get3A_880 : vector<16xf32>
        %min3A_882 = arith.minimumf %min3A_832, %get3A_880 : vector<16xf32>
        %add3A_883 = arith.addf %add3A_833, %get3A_880 : vector<16xf32>
        scf.yield %max3A_848, %max3A_859, %max3A_870, %max3A_881, %min3A_849, %min3A_860, %min3A_871, %min3A_882, %add3A_850, %add3A_861, %add3A_872, %add3A_883 : vector<16xf32>, vector<16xf32>, vector<16xf32>, vector<16xf32>, vector<16xf32>, vector<16xf32>, vector<16xf32>, vector<16xf32>, vector<16xf32>, vector<16xf32>, vector<16xf32>, vector<16xf32>
      }
      %scan3A_463 = arith.constant 50 : i32
      %mul3A_464 = arith.constant 2 : i32
      %mul3A_465 = arith.muli %add3A_390, %mul3A_464 : i32
      %add3A_466 = arith.constant 0 : i32
      %add3A_467 = arith.addi %mul3A_465, %add3A_466 : i32
      %swap3A_468 = arith.index_cast %add3A_467 : i32 to index
      %swap3A_469 = arith.constant 0 : index
      %swap3A_470 = tpu.vector_load %arg7[%swap3A_468, %swap3A_469] {strides = array<i32>} : memref<128x256xf32, #tpu.memory_space<vmem>>, vector<1x16xf32>,
      %swap3A_471 = vector.shape_cast %swap3A_470 : vector<1x16xf32> to vector<16xf32>
      %swap3A_472 = vector.shape_cast %scan3A_462#0 : vector<16xf32> to vector<1x16xf32>
      tpu.vector_store %arg7[%swap3A_468, %swap3A_469], %swap3A_472 {strides = array<i32>} : memref<128x256xf32, #tpu.memory_space<vmem>>, vector<1x16xf32>,
      %swap3A_473 = arith.index_cast %add3A_467 : i32 to index
      %swap3A_474 = arith.constant 64 : index
      %swap3A_475 = tpu.vector_load %arg7[%swap3A_473, %swap3A_474] {strides = array<i32>} : memref<128x256xf32, #tpu.memory_space<vmem>>, vector<1x16xf32>,
      %swap3A_476 = vector.shape_cast %swap3A_475 : vector<1x16xf32> to vector<16xf32>
      %swap3A_477 = vector.shape_cast %scan3A_462#4 : vector<16xf32> to vector<1x16xf32>
      tpu.vector_store %arg7[%swap3A_473, %swap3A_474], %swap3A_477 {strides = array<i32>} : memref<128x256xf32, #tpu.memory_space<vmem>>, vector<1x16xf32>,
      %mul3A_478 = arith.constant 5.000000e-03 : f32
      %mul3A_479 = vector.broadcast %mul3A_478 : f32 to vector<16xf32>
      %mul3A_480 = arith.mulf %scan3A_462#8, %mul3A_479 : vector<16xf32>
      %swap3A_481 = arith.index_cast %add3A_467 : i32 to index
      %swap3A_482 = arith.constant 128 : index
      %swap3A_483 = tpu.vector_load %arg7[%swap3A_481, %swap3A_482] {strides = array<i32>} : memref<128x256xf32, #tpu.memory_space<vmem>>, vector<1x16xf32>,
      %swap3A_484 = vector.shape_cast %swap3A_483 : vector<1x16xf32> to vector<16xf32>
      %swap3A_485 = vector.shape_cast %mul3A_480 : vector<16xf32> to vector<1x16xf32>
      tpu.vector_store %arg7[%swap3A_481, %swap3A_482], %swap3A_485 {strides = array<i32>} : memref<128x256xf32, #tpu.memory_space<vmem>>, vector<1x16xf32>,
      %swap3A_486 = arith.index_cast %add3A_467 : i32 to index
      %swap3A_487 = arith.constant 192 : index
      %swap3A_488 = tpu.vector_load %arg7[%swap3A_486, %swap3A_487] {strides = array<i32>} : memref<128x256xf32, #tpu.memory_space<vmem>>, vector<1x16xf32>,
      %swap3A_489 = vector.shape_cast %swap3A_488 : vector<1x16xf32> to vector<16xf32>
      %swap3A_490 = vector.shape_cast %scan3A_462#8 : vector<16xf32> to vector<1x16xf32>
      tpu.vector_store %arg7[%swap3A_486, %swap3A_487], %swap3A_490 {strides = array<i32>} : memref<128x256xf32, #tpu.memory_space<vmem>>, vector<1x16xf32>,
      %swap3A_491 = arith.index_cast %add3A_467 : i32 to index
      %swap3A_492 = arith.constant 16 : index
      %swap3A_493 = tpu.vector_load %arg7[%swap3A_491, %swap3A_492] {strides = array<i32>} : memref<128x256xf32, #tpu.memory_space<vmem>>, vector<1x16xf32>,
      %swap3A_494 = vector.shape_cast %swap3A_493 : vector<1x16xf32> to vector<16xf32>
      %swap3A_495 = vector.shape_cast %scan3A_462#1 : vector<16xf32> to vector<1x16xf32>
      tpu.vector_store %arg7[%swap3A_491, %swap3A_492], %swap3A_495 {strides = array<i32>} : memref<128x256xf32, #tpu.memory_space<vmem>>, vector<1x16xf32>,
      %swap3A_496 = arith.index_cast %add3A_467 : i32 to index
      %swap3A_497 = arith.constant 80 : index
      %swap3A_498 = tpu.vector_load %arg7[%swap3A_496, %swap3A_497] {strides = array<i32>} : memref<128x256xf32, #tpu.memory_space<vmem>>, vector<1x16xf32>,
      %swap3A_499 = vector.shape_cast %swap3A_498 : vector<1x16xf32> to vector<16xf32>
      %swap3A_500 = vector.shape_cast %scan3A_462#5 : vector<16xf32> to vector<1x16xf32>
      tpu.vector_store %arg7[%swap3A_496, %swap3A_497], %swap3A_500 {strides = array<i32>} : memref<128x256xf32, #tpu.memory_space<vmem>>, vector<1x16xf32>,
      %mul3A_501 = arith.constant 5.000000e-03 : f32
      %mul3A_502 = vector.broadcast %mul3A_501 : f32 to vector<16xf32>
      %mul3A_503 = arith.mulf %scan3A_462#9, %mul3A_502 : vector<16xf32>
      %swap3A_504 = arith.index_cast %add3A_467 : i32 to index
      %swap3A_505 = arith.constant 144 : index
      %swap3A_506 = tpu.vector_load %arg7[%swap3A_504, %swap3A_505] {strides = array<i32>} : memref<128x256xf32, #tpu.memory_space<vmem>>, vector<1x16xf32>,
      %swap3A_507 = vector.shape_cast %swap3A_506 : vector<1x16xf32> to vector<16xf32>
      %swap3A_508 = vector.shape_cast %mul3A_503 : vector<16xf32> to vector<1x16xf32>
      tpu.vector_store %arg7[%swap3A_504, %swap3A_505], %swap3A_508 {strides = array<i32>} : memref<128x256xf32, #tpu.memory_space<vmem>>, vector<1x16xf32>,
      %swap3A_509 = arith.index_cast %add3A_467 : i32 to index
      %swap3A_510 = arith.constant 208 : index
      %swap3A_511 = tpu.vector_load %arg7[%swap3A_509, %swap3A_510] {strides = array<i32>} : memref<128x256xf32, #tpu.memory_space<vmem>>, vector<1x16xf32>,
      %swap3A_512 = vector.shape_cast %swap3A_511 : vector<1x16xf32> to vector<16xf32>
      %swap3A_513 = vector.shape_cast %scan3A_462#9 : vector<16xf32> to vector<1x16xf32>
      tpu.vector_store %arg7[%swap3A_509, %swap3A_510], %swap3A_513 {strides = array<i32>} : memref<128x256xf32, #tpu.memory_space<vmem>>, vector<1x16xf32>,
      %swap3A_514 = arith.index_cast %add3A_467 : i32 to index
      %swap3A_515 = arith.constant 32 : index
      %swap3A_516 = tpu.vector_load %arg7[%swap3A_514, %swap3A_515] {strides = array<i32>} : memref<128x256xf32, #tpu.memory_space<vmem>>, vector<1x16xf32>,
      %swap3A_517 = vector.shape_cast %swap3A_516 : vector<1x16xf32> to vector<16xf32>
      %swap3A_518 = vector.shape_cast %scan3A_462#2 : vector<16xf32> to vector<1x16xf32>
      tpu.vector_store %arg7[%swap3A_514, %swap3A_515], %swap3A_518 {strides = array<i32>} : memref<128x256xf32, #tpu.memory_space<vmem>>, vector<1x16xf32>,
      %swap3A_519 = arith.index_cast %add3A_467 : i32 to index
      %swap3A_520 = arith.constant 96 : index
      %swap3A_521 = tpu.vector_load %arg7[%swap3A_519, %swap3A_520] {strides = array<i32>} : memref<128x256xf32, #tpu.memory_space<vmem>>, vector<1x16xf32>,
      %swap3A_522 = vector.shape_cast %swap3A_521 : vector<1x16xf32> to vector<16xf32>
      %swap3A_523 = vector.shape_cast %scan3A_462#6 : vector<16xf32> to vector<1x16xf32>
      tpu.vector_store %arg7[%swap3A_519, %swap3A_520], %swap3A_523 {strides = array<i32>} : memref<128x256xf32, #tpu.memory_space<vmem>>, vector<1x16xf32>,
      %mul3A_524 = arith.constant 5.000000e-03 : f32
      %mul3A_525 = vector.broadcast %mul3A_524 : f32 to vector<16xf32>
      %mul3A_526 = arith.mulf %scan3A_462#10, %mul3A_525 : vector<16xf32>
      %swap3A_527 = arith.index_cast %add3A_467 : i32 to index
      %swap3A_528 = arith.constant 160 : index
      %swap3A_529 = tpu.vector_load %arg7[%swap3A_527, %swap3A_528] {strides = array<i32>} : memref<128x256xf32, #tpu.memory_space<vmem>>, vector<1x16xf32>,
      %swap3A_530 = vector.shape_cast %swap3A_529 : vector<1x16xf32> to vector<16xf32>
      %swap3A_531 = vector.shape_cast %mul3A_526 : vector<16xf32> to vector<1x16xf32>
      tpu.vector_store %arg7[%swap3A_527, %swap3A_528], %swap3A_531 {strides = array<i32>} : memref<128x256xf32, #tpu.memory_space<vmem>>, vector<1x16xf32>,
      %swap3A_532 = arith.index_cast %add3A_467 : i32 to index
      %swap3A_533 = arith.constant 224 : index
      %swap3A_534 = tpu.vector_load %arg7[%swap3A_532, %swap3A_533] {strides = array<i32>} : memref<128x256xf32, #tpu.memory_space<vmem>>, vector<1x16xf32>,
      %swap3A_535 = vector.shape_cast %swap3A_534 : vector<1x16xf32> to vector<16xf32>
      %swap3A_536 = vector.shape_cast %scan3A_462#10 : vector<16xf32> to vector<1x16xf32>
      tpu.vector_store %arg7[%swap3A_532, %swap3A_533], %swap3A_536 {strides = array<i32>} : memref<128x256xf32, #tpu.memory_space<vmem>>, vector<1x16xf32>,
      %swap3A_537 = arith.index_cast %add3A_467 : i32 to index
      %swap3A_538 = arith.constant 48 : index
      %swap3A_539 = tpu.vector_load %arg7[%swap3A_537, %swap3A_538] {strides = array<i32>} : memref<128x256xf32, #tpu.memory_space<vmem>>, vector<1x16xf32>,
      %swap3A_540 = vector.shape_cast %swap3A_539 : vector<1x16xf32> to vector<16xf32>
      %swap3A_541 = vector.shape_cast %scan3A_462#3 : vector<16xf32> to vector<1x16xf32>
      tpu.vector_store %arg7[%swap3A_537, %swap3A_538], %swap3A_541 {strides = array<i32>} : memref<128x256xf32, #tpu.memory_space<vmem>>, vector<1x16xf32>,
      %swap3A_542 = arith.index_cast %add3A_467 : i32 to index
      %swap3A_543 = arith.constant 112 : index
      %swap3A_544 = tpu.vector_load %arg7[%swap3A_542, %swap3A_543] {strides = array<i32>} : memref<128x256xf32, #tpu.memory_space<vmem>>, vector<1x16xf32>,
      %swap3A_545 = vector.shape_cast %swap3A_544 : vector<1x16xf32> to vector<16xf32>
      %swap3A_546 = vector.shape_cast %scan3A_462#7 : vector<16xf32> to vector<1x16xf32>
      tpu.vector_store %arg7[%swap3A_542, %swap3A_543], %swap3A_546 {strides = array<i32>} : memref<128x256xf32, #tpu.memory_space<vmem>>, vector<1x16xf32>,
      %mul3A_547 = arith.constant 5.000000e-03 : f32
      %mul3A_548 = vector.broadcast %mul3A_547 : f32 to vector<16xf32>
      %mul3A_549 = arith.mulf %scan3A_462#11, %mul3A_548 : vector<16xf32>
      %swap3A_550 = arith.index_cast %add3A_467 : i32 to index
      %swap3A_551 = arith.constant 176 : index
      %swap3A_552 = tpu.vector_load %arg7[%swap3A_550, %swap3A_551] {strides = array<i32>} : memref<128x256xf32, #tpu.memory_space<vmem>>, vector<1x16xf32>,
      %swap3A_553 = vector.shape_cast %swap3A_552 : vector<1x16xf32> to vector<16xf32>
      %swap3A_554 = vector.shape_cast %mul3A_549 : vector<16xf32> to vector<1x16xf32>
      tpu.vector_store %arg7[%swap3A_550, %swap3A_551], %swap3A_554 {strides = array<i32>} : memref<128x256xf32, #tpu.memory_space<vmem>>, vector<1x16xf32>,
      %swap3A_555 = arith.index_cast %add3A_467 : i32 to index
      %swap3A_556 = arith.constant 240 : index
      %swap3A_557 = tpu.vector_load %arg7[%swap3A_555, %swap3A_556] {strides = array<i32>} : memref<128x256xf32, #tpu.memory_space<vmem>>, vector<1x16xf32>,
      %swap3A_558 = vector.shape_cast %swap3A_557 : vector<1x16xf32> to vector<16xf32>
      %swap3A_559 = vector.shape_cast %scan3A_462#11 : vector<16xf32> to vector<1x16xf32>
      tpu.vector_store %arg7[%swap3A_555, %swap3A_556], %swap3A_559 {strides = array<i32>} : memref<128x256xf32, #tpu.memory_space<vmem>>, vector<1x16xf32>,
      %broadcast_in_dim3A_560 = arith.constant 0xFF800000 : f32
      %broadcast_in_dim3A_561 = vector.broadcast %broadcast_in_dim3A_560 : f32 to vector<16xf32>
      %broadcast_in_dim3A_562 = arith.constant 0x7F800000 : f32
      %broadcast_in_dim3A_563 = vector.broadcast %broadcast_in_dim3A_562 : f32 to vector<16xf32>
      %broadcast_in_dim3A_564 = arith.constant 0.000000e+00 : f32
      %broadcast_in_dim3A_565 = vector.broadcast %broadcast_in_dim3A_564 : f32 to vector<16xf32>
      %scan3A_566 = arith.constant 1 : i32
      %scan3A_567 = arith.constant 0 : i32
      %scan3A_568 = arith.constant 50 : i32
      %scan3A_569 = arith.addi %scan3A_567, %scan3A_568 : i32
      %scan3A_570 = arith.constant 1 : i32
      %scan3A_571:12 = scf.for %scan3A_674 = %scan3A_567 to %scan3A_569 step %scan3A_570 iter_args(%scan3A_675 = %broadcast_in_dim3A_561, %scan3A_676 = %broadcast_in_dim3A_561, %scan3A_677 = %broadcast_in_dim3A_561, %scan3A_678 = %broadcast_in_dim3A_561, %scan3A_679 = %broadcast_in_dim3A_563, %scan3A_680 = %broadcast_in_dim3A_563, %scan3A_681 = %broadcast_in_dim3A_563, %scan3A_682 = %broadcast_in_dim3A_563, %scan3A_683 = %broadcast_in_dim3A_565, %scan3A_684 = %broadcast_in_dim3A_565, %scan3A_685 = %broadcast_in_dim3A_565, %scan3A_686 = %broadcast_in_dim3A_565) -> (vector<16xf32>, vector<16xf32>, vector<16xf32>, vector<16xf32>, vector<16xf32>, vector<16xf32>, vector<16xf32>, vector<16xf32>, vector<16xf32>, vector<16xf32>, vector<16xf32>, vector<16xf32>)  : i32 {
        %mul3A_687 = arith.constant 4 : i32
        %mul3A_688 = arith.muli %scan3A_674, %mul3A_687 : i32
        %add3A_689 = arith.constant 200 : i32
        %add3A_690 = arith.addi %add3A_689, %mul3A_688 : i32
        %add3A_691 = arith.constant 0 : i32
        %add3A_692 = arith.addi %add3A_690, %add3A_691 : i32
        %get3A = arith.constant 0 : i32
        %get3A_693 = arith.constant 0 : i32
        %get3A_694 = tpu.memref_slice %arg6[%scan3A_566, %get3A, %get3A_693] : memref<2x400x64xf32, #tpu.memory_space<vmem>> -> memref<1x400x64xf32, #tpu.memory_space<vmem>>
        %get3A_695 = tpu.memref_squeeze %get3A_694 : memref<1x400x64xf32, #tpu.memory_space<vmem>> -> memref<400x64xf32, #tpu.memory_space<vmem>>
        %get3A_696 = arith.index_cast %add3A_692 : i32 to index
        %get3A_697 = arith.constant 0 : index
        %get3A_698 = tpu.vector_load %get3A_695[%get3A_696, %get3A_697] {strides = array<i32>} : memref<400x64xf32, #tpu.memory_space<vmem>>, vector<1x16xf32>,
        %get3A_699 = vector.shape_cast %get3A_698 : vector<1x16xf32> to vector<16xf32>
        %max3A = arith.maximumf %scan3A_675, %get3A_699 : vector<16xf32>
        %min3A = arith.minimumf %scan3A_679, %get3A_699 : vector<16xf32>
        %add3A_700 = arith.addf %scan3A_683, %get3A_699 : vector<16xf32>
        %get3A_701 = arith.constant 0 : i32
        %get3A_702 = arith.constant 0 : i32
        %get3A_703 = tpu.memref_slice %arg6[%scan3A_566, %get3A_701, %get3A_702] : memref<2x400x64xf32, #tpu.memory_space<vmem>> -> memref<1x400x64xf32, #tpu.memory_space<vmem>>
        %get3A_704 = tpu.memref_squeeze %get3A_703 : memref<1x400x64xf32, #tpu.memory_space<vmem>> -> memref<400x64xf32, #tpu.memory_space<vmem>>
        %get3A_705 = arith.index_cast %add3A_692 : i32 to index
        %get3A_706 = arith.constant 16 : index
        %get3A_707 = tpu.vector_load %get3A_704[%get3A_705, %get3A_706] {strides = array<i32>} : memref<400x64xf32, #tpu.memory_space<vmem>>, vector<1x16xf32>,
        %get3A_708 = vector.shape_cast %get3A_707 : vector<1x16xf32> to vector<16xf32>
        %max3A_709 = arith.maximumf %scan3A_676, %get3A_708 : vector<16xf32>
        %min3A_710 = arith.minimumf %scan3A_680, %get3A_708 : vector<16xf32>
        %add3A_711 = arith.addf %scan3A_684, %get3A_708 : vector<16xf32>
        %get3A_712 = arith.constant 0 : i32
        %get3A_713 = arith.constant 0 : i32
        %get3A_714 = tpu.memref_slice %arg6[%scan3A_566, %get3A_712, %get3A_713] : memref<2x400x64xf32, #tpu.memory_space<vmem>> -> memref<1x400x64xf32, #tpu.memory_space<vmem>>
        %get3A_715 = tpu.memref_squeeze %get3A_714 : memref<1x400x64xf32, #tpu.memory_space<vmem>> -> memref<400x64xf32, #tpu.memory_space<vmem>>
        %get3A_716 = arith.index_cast %add3A_692 : i32 to index
        %get3A_717 = arith.constant 32 : index
        %get3A_718 = tpu.vector_load %get3A_715[%get3A_716, %get3A_717] {strides = array<i32>} : memref<400x64xf32, #tpu.memory_space<vmem>>, vector<1x16xf32>,
        %get3A_719 = vector.shape_cast %get3A_718 : vector<1x16xf32> to vector<16xf32>
        %max3A_720 = arith.maximumf %scan3A_677, %get3A_719 : vector<16xf32>
        %min3A_721 = arith.minimumf %scan3A_681, %get3A_719 : vector<16xf32>
        %add3A_722 = arith.addf %scan3A_685, %get3A_719 : vector<16xf32>
        %get3A_723 = arith.constant 0 : i32
        %get3A_724 = arith.constant 0 : i32
        %get3A_725 = tpu.memref_slice %arg6[%scan3A_566, %get3A_723, %get3A_724] : memref<2x400x64xf32, #tpu.memory_space<vmem>> -> memref<1x400x64xf32, #tpu.memory_space<vmem>>
        %get3A_726 = tpu.memref_squeeze %get3A_725 : memref<1x400x64xf32, #tpu.memory_space<vmem>> -> memref<400x64xf32, #tpu.memory_space<vmem>>
        %get3A_727 = arith.index_cast %add3A_692 : i32 to index
        %get3A_728 = arith.constant 48 : index
        %get3A_729 = tpu.vector_load %get3A_726[%get3A_727, %get3A_728] {strides = array<i32>} : memref<400x64xf32, #tpu.memory_space<vmem>>, vector<1x16xf32>,
        %get3A_730 = vector.shape_cast %get3A_729 : vector<1x16xf32> to vector<16xf32>
        %max3A_731 = arith.maximumf %scan3A_678, %get3A_730 : vector<16xf32>
        %min3A_732 = arith.minimumf %scan3A_682, %get3A_730 : vector<16xf32>
        %add3A_733 = arith.addf %scan3A_686, %get3A_730 : vector<16xf32>
        %mul3A_734 = arith.constant 4 : i32
        %mul3A_735 = arith.muli %scan3A_674, %mul3A_734 : i32
        %add3A_736 = arith.constant 200 : i32
        %add3A_737 = arith.addi %add3A_736, %mul3A_735 : i32
        %add3A_738 = arith.constant 1 : i32
        %add3A_739 = arith.addi %add3A_737, %add3A_738 : i32
        %get3A_740 = arith.constant 0 : i32
        %get3A_741 = arith.constant 0 : i32
        %get3A_742 = tpu.memref_slice %arg6[%scan3A_566, %get3A_740, %get3A_741] : memref<2x400x64xf32, #tpu.memory_space<vmem>> -> memref<1x400x64xf32, #tpu.memory_space<vmem>>
        %get3A_743 = tpu.memref_squeeze %get3A_742 : memref<1x400x64xf32, #tpu.memory_space<vmem>> -> memref<400x64xf32, #tpu.memory_space<vmem>>
        %get3A_744 = arith.index_cast %add3A_739 : i32 to index
        %get3A_745 = arith.constant 0 : index
        %get3A_746 = tpu.vector_load %get3A_743[%get3A_744, %get3A_745] {strides = array<i32>} : memref<400x64xf32, #tpu.memory_space<vmem>>, vector<1x16xf32>,
        %get3A_747 = vector.shape_cast %get3A_746 : vector<1x16xf32> to vector<16xf32>
        %max3A_748 = arith.maximumf %max3A, %get3A_747 : vector<16xf32>
        %min3A_749 = arith.minimumf %min3A, %get3A_747 : vector<16xf32>
        %add3A_750 = arith.addf %add3A_700, %get3A_747 : vector<16xf32>
        %get3A_751 = arith.constant 0 : i32
        %get3A_752 = arith.constant 0 : i32
        %get3A_753 = tpu.memref_slice %arg6[%scan3A_566, %get3A_751, %get3A_752] : memref<2x400x64xf32, #tpu.memory_space<vmem>> -> memref<1x400x64xf32, #tpu.memory_space<vmem>>
        %get3A_754 = tpu.memref_squeeze %get3A_753 : memref<1x400x64xf32, #tpu.memory_space<vmem>> -> memref<400x64xf32, #tpu.memory_space<vmem>>
        %get3A_755 = arith.index_cast %add3A_739 : i32 to index
        %get3A_756 = arith.constant 16 : index
        %get3A_757 = tpu.vector_load %get3A_754[%get3A_755, %get3A_756] {strides = array<i32>} : memref<400x64xf32, #tpu.memory_space<vmem>>, vector<1x16xf32>,
        %get3A_758 = vector.shape_cast %get3A_757 : vector<1x16xf32> to vector<16xf32>
        %max3A_759 = arith.maximumf %max3A_709, %get3A_758 : vector<16xf32>
        %min3A_760 = arith.minimumf %min3A_710, %get3A_758 : vector<16xf32>
        %add3A_761 = arith.addf %add3A_711, %get3A_758 : vector<16xf32>
        %get3A_762 = arith.constant 0 : i32
        %get3A_763 = arith.constant 0 : i32
        %get3A_764 = tpu.memref_slice %arg6[%scan3A_566, %get3A_762, %get3A_763] : memref<2x400x64xf32, #tpu.memory_space<vmem>> -> memref<1x400x64xf32, #tpu.memory_space<vmem>>
        %get3A_765 = tpu.memref_squeeze %get3A_764 : memref<1x400x64xf32, #tpu.memory_space<vmem>> -> memref<400x64xf32, #tpu.memory_space<vmem>>
        %get3A_766 = arith.index_cast %add3A_739 : i32 to index
        %get3A_767 = arith.constant 32 : index
        %get3A_768 = tpu.vector_load %get3A_765[%get3A_766, %get3A_767] {strides = array<i32>} : memref<400x64xf32, #tpu.memory_space<vmem>>, vector<1x16xf32>,
        %get3A_769 = vector.shape_cast %get3A_768 : vector<1x16xf32> to vector<16xf32>
        %max3A_770 = arith.maximumf %max3A_720, %get3A_769 : vector<16xf32>
        %min3A_771 = arith.minimumf %min3A_721, %get3A_769 : vector<16xf32>
        %add3A_772 = arith.addf %add3A_722, %get3A_769 : vector<16xf32>
        %get3A_773 = arith.constant 0 : i32
        %get3A_774 = arith.constant 0 : i32
        %get3A_775 = tpu.memref_slice %arg6[%scan3A_566, %get3A_773, %get3A_774] : memref<2x400x64xf32, #tpu.memory_space<vmem>> -> memref<1x400x64xf32, #tpu.memory_space<vmem>>
        %get3A_776 = tpu.memref_squeeze %get3A_775 : memref<1x400x64xf32, #tpu.memory_space<vmem>> -> memref<400x64xf32, #tpu.memory_space<vmem>>
        %get3A_777 = arith.index_cast %add3A_739 : i32 to index
        %get3A_778 = arith.constant 48 : index
        %get3A_779 = tpu.vector_load %get3A_776[%get3A_777, %get3A_778] {strides = array<i32>} : memref<400x64xf32, #tpu.memory_space<vmem>>, vector<1x16xf32>,
        %get3A_780 = vector.shape_cast %get3A_779 : vector<1x16xf32> to vector<16xf32>
        %max3A_781 = arith.maximumf %max3A_731, %get3A_780 : vector<16xf32>
        %min3A_782 = arith.minimumf %min3A_732, %get3A_780 : vector<16xf32>
        %add3A_783 = arith.addf %add3A_733, %get3A_780 : vector<16xf32>
        %mul3A_784 = arith.constant 4 : i32
        %mul3A_785 = arith.muli %scan3A_674, %mul3A_784 : i32
        %add3A_786 = arith.constant 200 : i32
        %add3A_787 = arith.addi %add3A_786, %mul3A_785 : i32
        %add3A_788 = arith.constant 2 : i32
        %add3A_789 = arith.addi %add3A_787, %add3A_788 : i32
        %get3A_790 = arith.constant 0 : i32
        %get3A_791 = arith.constant 0 : i32
        %get3A_792 = tpu.memref_slice %arg6[%scan3A_566, %get3A_790, %get3A_791] : memref<2x400x64xf32, #tpu.memory_space<vmem>> -> memref<1x400x64xf32, #tpu.memory_space<vmem>>
        %get3A_793 = tpu.memref_squeeze %get3A_792 : memref<1x400x64xf32, #tpu.memory_space<vmem>> -> memref<400x64xf32, #tpu.memory_space<vmem>>
        %get3A_794 = arith.index_cast %add3A_789 : i32 to index
        %get3A_795 = arith.constant 0 : index
        %get3A_796 = tpu.vector_load %get3A_793[%get3A_794, %get3A_795] {strides = array<i32>} : memref<400x64xf32, #tpu.memory_space<vmem>>, vector<1x16xf32>,
        %get3A_797 = vector.shape_cast %get3A_796 : vector<1x16xf32> to vector<16xf32>
        %max3A_798 = arith.maximumf %max3A_748, %get3A_797 : vector<16xf32>
        %min3A_799 = arith.minimumf %min3A_749, %get3A_797 : vector<16xf32>
        %add3A_800 = arith.addf %add3A_750, %get3A_797 : vector<16xf32>
        %get3A_801 = arith.constant 0 : i32
        %get3A_802 = arith.constant 0 : i32
        %get3A_803 = tpu.memref_slice %arg6[%scan3A_566, %get3A_801, %get3A_802] : memref<2x400x64xf32, #tpu.memory_space<vmem>> -> memref<1x400x64xf32, #tpu.memory_space<vmem>>
        %get3A_804 = tpu.memref_squeeze %get3A_803 : memref<1x400x64xf32, #tpu.memory_space<vmem>> -> memref<400x64xf32, #tpu.memory_space<vmem>>
        %get3A_805 = arith.index_cast %add3A_789 : i32 to index
        %get3A_806 = arith.constant 16 : index
        %get3A_807 = tpu.vector_load %get3A_804[%get3A_805, %get3A_806] {strides = array<i32>} : memref<400x64xf32, #tpu.memory_space<vmem>>, vector<1x16xf32>,
        %get3A_808 = vector.shape_cast %get3A_807 : vector<1x16xf32> to vector<16xf32>
        %max3A_809 = arith.maximumf %max3A_759, %get3A_808 : vector<16xf32>
        %min3A_810 = arith.minimumf %min3A_760, %get3A_808 : vector<16xf32>
        %add3A_811 = arith.addf %add3A_761, %get3A_808 : vector<16xf32>
        %get3A_812 = arith.constant 0 : i32
        %get3A_813 = arith.constant 0 : i32
        %get3A_814 = tpu.memref_slice %arg6[%scan3A_566, %get3A_812, %get3A_813] : memref<2x400x64xf32, #tpu.memory_space<vmem>> -> memref<1x400x64xf32, #tpu.memory_space<vmem>>
        %get3A_815 = tpu.memref_squeeze %get3A_814 : memref<1x400x64xf32, #tpu.memory_space<vmem>> -> memref<400x64xf32, #tpu.memory_space<vmem>>
        %get3A_816 = arith.index_cast %add3A_789 : i32 to index
        %get3A_817 = arith.constant 32 : index
        %get3A_818 = tpu.vector_load %get3A_815[%get3A_816, %get3A_817] {strides = array<i32>} : memref<400x64xf32, #tpu.memory_space<vmem>>, vector<1x16xf32>,
        %get3A_819 = vector.shape_cast %get3A_818 : vector<1x16xf32> to vector<16xf32>
        %max3A_820 = arith.maximumf %max3A_770, %get3A_819 : vector<16xf32>
        %min3A_821 = arith.minimumf %min3A_771, %get3A_819 : vector<16xf32>
        %add3A_822 = arith.addf %add3A_772, %get3A_819 : vector<16xf32>
        %get3A_823 = arith.constant 0 : i32
        %get3A_824 = arith.constant 0 : i32
        %get3A_825 = tpu.memref_slice %arg6[%scan3A_566, %get3A_823, %get3A_824] : memref<2x400x64xf32, #tpu.memory_space<vmem>> -> memref<1x400x64xf32, #tpu.memory_space<vmem>>
        %get3A_826 = tpu.memref_squeeze %get3A_825 : memref<1x400x64xf32, #tpu.memory_space<vmem>> -> memref<400x64xf32, #tpu.memory_space<vmem>>
        %get3A_827 = arith.index_cast %add3A_789 : i32 to index
        %get3A_828 = arith.constant 48 : index
        %get3A_829 = tpu.vector_load %get3A_826[%get3A_827, %get3A_828] {strides = array<i32>} : memref<400x64xf32, #tpu.memory_space<vmem>>, vector<1x16xf32>,
        %get3A_830 = vector.shape_cast %get3A_829 : vector<1x16xf32> to vector<16xf32>
        %max3A_831 = arith.maximumf %max3A_781, %get3A_830 : vector<16xf32>
        %min3A_832 = arith.minimumf %min3A_782, %get3A_830 : vector<16xf32>
        %add3A_833 = arith.addf %add3A_783, %get3A_830 : vector<16xf32>
        %mul3A_834 = arith.constant 4 : i32
        %mul3A_835 = arith.muli %scan3A_674, %mul3A_834 : i32
        %add3A_836 = arith.constant 200 : i32
        %add3A_837 = arith.addi %add3A_836, %mul3A_835 : i32
        %add3A_838 = arith.constant 3 : i32
        %add3A_839 = arith.addi %add3A_837, %add3A_838 : i32
        %get3A_840 = arith.constant 0 : i32
        %get3A_841 = arith.constant 0 : i32
        %get3A_842 = tpu.memref_slice %arg6[%scan3A_566, %get3A_840, %get3A_841] : memref<2x400x64xf32, #tpu.memory_space<vmem>> -> memref<1x400x64xf32, #tpu.memory_space<vmem>>
        %get3A_843 = tpu.memref_squeeze %get3A_842 : memref<1x400x64xf32, #tpu.memory_space<vmem>> -> memref<400x64xf32, #tpu.memory_space<vmem>>
        %get3A_844 = arith.index_cast %add3A_839 : i32 to index
        %get3A_845 = arith.constant 0 : index
        %get3A_846 = tpu.vector_load %get3A_843[%get3A_844, %get3A_845] {strides = array<i32>} : memref<400x64xf32, #tpu.memory_space<vmem>>, vector<1x16xf32>,
        %get3A_847 = vector.shape_cast %get3A_846 : vector<1x16xf32> to vector<16xf32>
        %max3A_848 = arith.maximumf %max3A_798, %get3A_847 : vector<16xf32>
        %min3A_849 = arith.minimumf %min3A_799, %get3A_847 : vector<16xf32>
        %add3A_850 = arith.addf %add3A_800, %get3A_847 : vector<16xf32>
        %get3A_851 = arith.constant 0 : i32
        %get3A_852 = arith.constant 0 : i32
        %get3A_853 = tpu.memref_slice %arg6[%scan3A_566, %get3A_851, %get3A_852] : memref<2x400x64xf32, #tpu.memory_space<vmem>> -> memref<1x400x64xf32, #tpu.memory_space<vmem>>
        %get3A_854 = tpu.memref_squeeze %get3A_853 : memref<1x400x64xf32, #tpu.memory_space<vmem>> -> memref<400x64xf32, #tpu.memory_space<vmem>>
        %get3A_855 = arith.index_cast %add3A_839 : i32 to index
        %get3A_856 = arith.constant 16 : index
        %get3A_857 = tpu.vector_load %get3A_854[%get3A_855, %get3A_856] {strides = array<i32>} : memref<400x64xf32, #tpu.memory_space<vmem>>, vector<1x16xf32>,
        %get3A_858 = vector.shape_cast %get3A_857 : vector<1x16xf32> to vector<16xf32>
        %max3A_859 = arith.maximumf %max3A_809, %get3A_858 : vector<16xf32>
        %min3A_860 = arith.minimumf %min3A_810, %get3A_858 : vector<16xf32>
        %add3A_861 = arith.addf %add3A_811, %get3A_858 : vector<16xf32>
        %get3A_862 = arith.constant 0 : i32
        %get3A_863 = arith.constant 0 : i32
        %get3A_864 = tpu.memref_slice %arg6[%scan3A_566, %get3A_862, %get3A_863] : memref<2x400x64xf32, #tpu.memory_space<vmem>> -> memref<1x400x64xf32, #tpu.memory_space<vmem>>
        %get3A_865 = tpu.memref_squeeze %get3A_864 : memref<1x400x64xf32, #tpu.memory_space<vmem>> -> memref<400x64xf32, #tpu.memory_space<vmem>>
        %get3A_866 = arith.index_cast %add3A_839 : i32 to index
        %get3A_867 = arith.constant 32 : index
        %get3A_868 = tpu.vector_load %get3A_865[%get3A_866, %get3A_867] {strides = array<i32>} : memref<400x64xf32, #tpu.memory_space<vmem>>, vector<1x16xf32>,
        %get3A_869 = vector.shape_cast %get3A_868 : vector<1x16xf32> to vector<16xf32>
        %max3A_870 = arith.maximumf %max3A_820, %get3A_869 : vector<16xf32>
        %min3A_871 = arith.minimumf %min3A_821, %get3A_869 : vector<16xf32>
        %add3A_872 = arith.addf %add3A_822, %get3A_869 : vector<16xf32>
        %get3A_873 = arith.constant 0 : i32
        %get3A_874 = arith.constant 0 : i32
        %get3A_875 = tpu.memref_slice %arg6[%scan3A_566, %get3A_873, %get3A_874] : memref<2x400x64xf32, #tpu.memory_space<vmem>> -> memref<1x400x64xf32, #tpu.memory_space<vmem>>
        %get3A_876 = tpu.memref_squeeze %get3A_875 : memref<1x400x64xf32, #tpu.memory_space<vmem>> -> memref<400x64xf32, #tpu.memory_space<vmem>>
        %get3A_877 = arith.index_cast %add3A_839 : i32 to index
        %get3A_878 = arith.constant 48 : index
        %get3A_879 = tpu.vector_load %get3A_876[%get3A_877, %get3A_878] {strides = array<i32>} : memref<400x64xf32, #tpu.memory_space<vmem>>, vector<1x16xf32>,
        %get3A_880 = vector.shape_cast %get3A_879 : vector<1x16xf32> to vector<16xf32>
        %max3A_881 = arith.maximumf %max3A_831, %get3A_880 : vector<16xf32>
        %min3A_882 = arith.minimumf %min3A_832, %get3A_880 : vector<16xf32>
        %add3A_883 = arith.addf %add3A_833, %get3A_880 : vector<16xf32>
        scf.yield %max3A_848, %max3A_859, %max3A_870, %max3A_881, %min3A_849, %min3A_860, %min3A_871, %min3A_882, %add3A_850, %add3A_861, %add3A_872, %add3A_883 : vector<16xf32>, vector<16xf32>, vector<16xf32>, vector<16xf32>, vector<16xf32>, vector<16xf32>, vector<16xf32>, vector<16xf32>, vector<16xf32>, vector<16xf32>, vector<16xf32>, vector<16xf32>
      }
      %scan3A_572 = arith.constant 50 : i32
      %mul3A_573 = arith.constant 2 : i32
      %mul3A_574 = arith.muli %add3A_390, %mul3A_573 : i32
      %add3A_575 = arith.constant 1 : i32
      %add3A_576 = arith.addi %mul3A_574, %add3A_575 : i32
      %swap3A_577 = arith.index_cast %add3A_576 : i32 to index
      %swap3A_578 = arith.constant 0 : index
      %swap3A_579 = tpu.vector_load %arg7[%swap3A_577, %swap3A_578] {strides = array<i32>} : memref<128x256xf32, #tpu.memory_space<vmem>>, vector<1x16xf32>,
      %swap3A_580 = vector.shape_cast %swap3A_579 : vector<1x16xf32> to vector<16xf32>
      %swap3A_581 = vector.shape_cast %scan3A_571#0 : vector<16xf32> to vector<1x16xf32>
      tpu.vector_store %arg7[%swap3A_577, %swap3A_578], %swap3A_581 {strides = array<i32>} : memref<128x256xf32, #tpu.memory_space<vmem>>, vector<1x16xf32>,
      %swap3A_582 = arith.index_cast %add3A_576 : i32 to index
      %swap3A_583 = arith.constant 64 : index
      %swap3A_584 = tpu.vector_load %arg7[%swap3A_582, %swap3A_583] {strides = array<i32>} : memref<128x256xf32, #tpu.memory_space<vmem>>, vector<1x16xf32>,
      %swap3A_585 = vector.shape_cast %swap3A_584 : vector<1x16xf32> to vector<16xf32>
      %swap3A_586 = vector.shape_cast %scan3A_571#4 : vector<16xf32> to vector<1x16xf32>
      tpu.vector_store %arg7[%swap3A_582, %swap3A_583], %swap3A_586 {strides = array<i32>} : memref<128x256xf32, #tpu.memory_space<vmem>>, vector<1x16xf32>,
      %mul3A_587 = arith.constant 5.000000e-03 : f32
      %mul3A_588 = vector.broadcast %mul3A_587 : f32 to vector<16xf32>
      %mul3A_589 = arith.mulf %scan3A_571#8, %mul3A_588 : vector<16xf32>
      %swap3A_590 = arith.index_cast %add3A_576 : i32 to index
      %swap3A_591 = arith.constant 128 : index
      %swap3A_592 = tpu.vector_load %arg7[%swap3A_590, %swap3A_591] {strides = array<i32>} : memref<128x256xf32, #tpu.memory_space<vmem>>, vector<1x16xf32>,
      %swap3A_593 = vector.shape_cast %swap3A_592 : vector<1x16xf32> to vector<16xf32>
      %swap3A_594 = vector.shape_cast %mul3A_589 : vector<16xf32> to vector<1x16xf32>
      tpu.vector_store %arg7[%swap3A_590, %swap3A_591], %swap3A_594 {strides = array<i32>} : memref<128x256xf32, #tpu.memory_space<vmem>>, vector<1x16xf32>,
      %swap3A_595 = arith.index_cast %add3A_576 : i32 to index
      %swap3A_596 = arith.constant 192 : index
      %swap3A_597 = tpu.vector_load %arg7[%swap3A_595, %swap3A_596] {strides = array<i32>} : memref<128x256xf32, #tpu.memory_space<vmem>>, vector<1x16xf32>,
      %swap3A_598 = vector.shape_cast %swap3A_597 : vector<1x16xf32> to vector<16xf32>
      %swap3A_599 = vector.shape_cast %scan3A_571#8 : vector<16xf32> to vector<1x16xf32>
      tpu.vector_store %arg7[%swap3A_595, %swap3A_596], %swap3A_599 {strides = array<i32>} : memref<128x256xf32, #tpu.memory_space<vmem>>, vector<1x16xf32>,
      %swap3A_600 = arith.index_cast %add3A_576 : i32 to index
      %swap3A_601 = arith.constant 16 : index
      %swap3A_602 = tpu.vector_load %arg7[%swap3A_600, %swap3A_601] {strides = array<i32>} : memref<128x256xf32, #tpu.memory_space<vmem>>, vector<1x16xf32>,
      %swap3A_603 = vector.shape_cast %swap3A_602 : vector<1x16xf32> to vector<16xf32>
      %swap3A_604 = vector.shape_cast %scan3A_571#1 : vector<16xf32> to vector<1x16xf32>
      tpu.vector_store %arg7[%swap3A_600, %swap3A_601], %swap3A_604 {strides = array<i32>} : memref<128x256xf32, #tpu.memory_space<vmem>>, vector<1x16xf32>,
      %swap3A_605 = arith.index_cast %add3A_576 : i32 to index
      %swap3A_606 = arith.constant 80 : index
      %swap3A_607 = tpu.vector_load %arg7[%swap3A_605, %swap3A_606] {strides = array<i32>} : memref<128x256xf32, #tpu.memory_space<vmem>>, vector<1x16xf32>,
      %swap3A_608 = vector.shape_cast %swap3A_607 : vector<1x16xf32> to vector<16xf32>
      %swap3A_609 = vector.shape_cast %scan3A_571#5 : vector<16xf32> to vector<1x16xf32>
      tpu.vector_store %arg7[%swap3A_605, %swap3A_606], %swap3A_609 {strides = array<i32>} : memref<128x256xf32, #tpu.memory_space<vmem>>, vector<1x16xf32>,
      %mul3A_610 = arith.constant 5.000000e-03 : f32
      %mul3A_611 = vector.broadcast %mul3A_610 : f32 to vector<16xf32>
      %mul3A_612 = arith.mulf %scan3A_571#9, %mul3A_611 : vector<16xf32>
      %swap3A_613 = arith.index_cast %add3A_576 : i32 to index
      %swap3A_614 = arith.constant 144 : index
      %swap3A_615 = tpu.vector_load %arg7[%swap3A_613, %swap3A_614] {strides = array<i32>} : memref<128x256xf32, #tpu.memory_space<vmem>>, vector<1x16xf32>,
      %swap3A_616 = vector.shape_cast %swap3A_615 : vector<1x16xf32> to vector<16xf32>
      %swap3A_617 = vector.shape_cast %mul3A_612 : vector<16xf32> to vector<1x16xf32>
      tpu.vector_store %arg7[%swap3A_613, %swap3A_614], %swap3A_617 {strides = array<i32>} : memref<128x256xf32, #tpu.memory_space<vmem>>, vector<1x16xf32>,
      %swap3A_618 = arith.index_cast %add3A_576 : i32 to index
      %swap3A_619 = arith.constant 208 : index
      %swap3A_620 = tpu.vector_load %arg7[%swap3A_618, %swap3A_619] {strides = array<i32>} : memref<128x256xf32, #tpu.memory_space<vmem>>, vector<1x16xf32>,
      %swap3A_621 = vector.shape_cast %swap3A_620 : vector<1x16xf32> to vector<16xf32>
      %swap3A_622 = vector.shape_cast %scan3A_571#9 : vector<16xf32> to vector<1x16xf32>
      tpu.vector_store %arg7[%swap3A_618, %swap3A_619], %swap3A_622 {strides = array<i32>} : memref<128x256xf32, #tpu.memory_space<vmem>>, vector<1x16xf32>,
      %swap3A_623 = arith.index_cast %add3A_576 : i32 to index
      %swap3A_624 = arith.constant 32 : index
      %swap3A_625 = tpu.vector_load %arg7[%swap3A_623, %swap3A_624] {strides = array<i32>} : memref<128x256xf32, #tpu.memory_space<vmem>>, vector<1x16xf32>,
      %swap3A_626 = vector.shape_cast %swap3A_625 : vector<1x16xf32> to vector<16xf32>
      %swap3A_627 = vector.shape_cast %scan3A_571#2 : vector<16xf32> to vector<1x16xf32>
      tpu.vector_store %arg7[%swap3A_623, %swap3A_624], %swap3A_627 {strides = array<i32>} : memref<128x256xf32, #tpu.memory_space<vmem>>, vector<1x16xf32>,
      %swap3A_628 = arith.index_cast %add3A_576 : i32 to index
      %swap3A_629 = arith.constant 96 : index
      %swap3A_630 = tpu.vector_load %arg7[%swap3A_628, %swap3A_629] {strides = array<i32>} : memref<128x256xf32, #tpu.memory_space<vmem>>, vector<1x16xf32>,
      %swap3A_631 = vector.shape_cast %swap3A_630 : vector<1x16xf32> to vector<16xf32>
      %swap3A_632 = vector.shape_cast %scan3A_571#6 : vector<16xf32> to vector<1x16xf32>
      tpu.vector_store %arg7[%swap3A_628, %swap3A_629], %swap3A_632 {strides = array<i32>} : memref<128x256xf32, #tpu.memory_space<vmem>>, vector<1x16xf32>,
      %mul3A_633 = arith.constant 5.000000e-03 : f32
      %mul3A_634 = vector.broadcast %mul3A_633 : f32 to vector<16xf32>
      %mul3A_635 = arith.mulf %scan3A_571#10, %mul3A_634 : vector<16xf32>
      %swap3A_636 = arith.index_cast %add3A_576 : i32 to index
      %swap3A_637 = arith.constant 160 : index
      %swap3A_638 = tpu.vector_load %arg7[%swap3A_636, %swap3A_637] {strides = array<i32>} : memref<128x256xf32, #tpu.memory_space<vmem>>, vector<1x16xf32>,
      %swap3A_639 = vector.shape_cast %swap3A_638 : vector<1x16xf32> to vector<16xf32>
      %swap3A_640 = vector.shape_cast %mul3A_635 : vector<16xf32> to vector<1x16xf32>
      tpu.vector_store %arg7[%swap3A_636, %swap3A_637], %swap3A_640 {strides = array<i32>} : memref<128x256xf32, #tpu.memory_space<vmem>>, vector<1x16xf32>,
      %swap3A_641 = arith.index_cast %add3A_576 : i32 to index
      %swap3A_642 = arith.constant 224 : index
      %swap3A_643 = tpu.vector_load %arg7[%swap3A_641, %swap3A_642] {strides = array<i32>} : memref<128x256xf32, #tpu.memory_space<vmem>>, vector<1x16xf32>,
      %swap3A_644 = vector.shape_cast %swap3A_643 : vector<1x16xf32> to vector<16xf32>
      %swap3A_645 = vector.shape_cast %scan3A_571#10 : vector<16xf32> to vector<1x16xf32>
      tpu.vector_store %arg7[%swap3A_641, %swap3A_642], %swap3A_645 {strides = array<i32>} : memref<128x256xf32, #tpu.memory_space<vmem>>, vector<1x16xf32>,
      %swap3A_646 = arith.index_cast %add3A_576 : i32 to index
      %swap3A_647 = arith.constant 48 : index
      %swap3A_648 = tpu.vector_load %arg7[%swap3A_646, %swap3A_647] {strides = array<i32>} : memref<128x256xf32, #tpu.memory_space<vmem>>, vector<1x16xf32>,
      %swap3A_649 = vector.shape_cast %swap3A_648 : vector<1x16xf32> to vector<16xf32>
      %swap3A_650 = vector.shape_cast %scan3A_571#3 : vector<16xf32> to vector<1x16xf32>
      tpu.vector_store %arg7[%swap3A_646, %swap3A_647], %swap3A_650 {strides = array<i32>} : memref<128x256xf32, #tpu.memory_space<vmem>>, vector<1x16xf32>,
      %swap3A_651 = arith.index_cast %add3A_576 : i32 to index
      %swap3A_652 = arith.constant 112 : index
      %swap3A_653 = tpu.vector_load %arg7[%swap3A_651, %swap3A_652] {strides = array<i32>} : memref<128x256xf32, #tpu.memory_space<vmem>>, vector<1x16xf32>,
      %swap3A_654 = vector.shape_cast %swap3A_653 : vector<1x16xf32> to vector<16xf32>
      %swap3A_655 = vector.shape_cast %scan3A_571#7 : vector<16xf32> to vector<1x16xf32>
      tpu.vector_store %arg7[%swap3A_651, %swap3A_652], %swap3A_655 {strides = array<i32>} : memref<128x256xf32, #tpu.memory_space<vmem>>, vector<1x16xf32>,
      %mul3A_656 = arith.constant 5.000000e-03 : f32
      %mul3A_657 = vector.broadcast %mul3A_656 : f32 to vector<16xf32>
      %mul3A_658 = arith.mulf %scan3A_571#11, %mul3A_657 : vector<16xf32>
      %swap3A_659 = arith.index_cast %add3A_576 : i32 to index
      %swap3A_660 = arith.constant 176 : index
      %swap3A_661 = tpu.vector_load %arg7[%swap3A_659, %swap3A_660] {strides = array<i32>} : memref<128x256xf32, #tpu.memory_space<vmem>>, vector<1x16xf32>,
      %swap3A_662 = vector.shape_cast %swap3A_661 : vector<1x16xf32> to vector<16xf32>
      %swap3A_663 = vector.shape_cast %mul3A_658 : vector<16xf32> to vector<1x16xf32>
      tpu.vector_store %arg7[%swap3A_659, %swap3A_660], %swap3A_663 {strides = array<i32>} : memref<128x256xf32, #tpu.memory_space<vmem>>, vector<1x16xf32>,
      %swap3A_664 = arith.index_cast %add3A_576 : i32 to index
      %swap3A_665 = arith.constant 240 : index
      %swap3A_666 = tpu.vector_load %arg7[%swap3A_664, %swap3A_665] {strides = array<i32>} : memref<128x256xf32, #tpu.memory_space<vmem>>, vector<1x16xf32>,
      %swap3A_667 = vector.shape_cast %swap3A_666 : vector<1x16xf32> to vector<16xf32>
      %swap3A_668 = vector.shape_cast %scan3A_571#11 : vector<16xf32> to vector<1x16xf32>
      tpu.vector_store %arg7[%swap3A_664, %swap3A_665], %swap3A_668 {strides = array<i32>} : memref<128x256xf32, #tpu.memory_space<vmem>>, vector<1x16xf32>,
      %lt3A_669 = arith.constant 31 : i32
      %lt3A_670 = arith.cmpi slt, %scan3A_105, %lt3A_669 : i32
      %convert_element_type3A_671 = arith.extui %lt3A_670 : i1 to i32
      %cond3A_672 = arith.constant 0 : i32
      %cond3A_673 = arith.cmpi ne, %convert_element_type3A_671, %cond3A_672 : i32
      scf.if %cond3A_673 {
        %add3A_674 = arith.constant 2 : i32
        %add3A_675 = arith.addi %add3A_390, %add3A_674 : i32
        %mul3A_676 = arith.constant 4 : i32
        %mul3A_677 = arith.muli %add3A_675, %mul3A_676 : i32
        %add3A_678 = arith.constant 0 : i32
        %add3A_679 = arith.addi %mul3A_677, %add3A_678 : i32
        %dma_start3A_680 = arith.constant 1 : i32
        %dma_start3A_681 = arith.constant 0 : i32
        %dma_start3A_682 = arith.constant 0 : i32
        %dma_start3A_683 = tpu.memref_slice %arg6[%dma_start3A_680, %dma_start3A_681, %dma_start3A_682] : memref<2x400x64xf32, #tpu.memory_space<vmem>> -> memref<1x100x64xf32, #tpu.memory_space<vmem>>
        %dma_start3A_684 = tpu.memref_squeeze %dma_start3A_683 : memref<1x100x64xf32, #tpu.memory_space<vmem>> -> memref<100x64xf32, #tpu.memory_space<vmem>>
        %dma_start3A_685 = arith.constant 0 : i32
        %dma_start3A_686 = tpu.memref_slice %arg5[%add3A_679, %dma_start3A_685] : memref<256x100xi32, #tpu.memory_space<vmem>> -> memref<1x100xi32, #tpu.memory_space<vmem>>
        %dma_start3A_687 = tpu.memref_squeeze %dma_start3A_686 : memref<1x100xi32, #tpu.memory_space<vmem>> -> memref<100xi32, #tpu.memory_space<vmem>>
        %dma_start3A_688 = arith.constant 0 : i32
        %dma_start3A_689 = arith.constant 0 : i32
        %dma_start3A_690 = tpu.memref_slice %arg2[%dma_start3A_688, %dma_start3A_689] : memref<1000000x64xf32, #tpu.memory_space<hbm>> -> memref<1000000x64xf32, #tpu.memory_space<hbm>>
        tpu.enqueue_indirect_dma source(%dma_start3A_690 : memref<1000000x64xf32, #tpu.memory_space<hbm>>) target(%dma_start3A_684 : memref<100x64xf32, #tpu.memory_space<vmem>>) offsets(%dma_start3A_687 : memref<100xi32, #tpu.memory_space<vmem>>) semaphore(%arg9 : memref<!tpu.dma_semaphore, #tpu.memory_space<semaphore_mem>>)
        %mul3A_691 = arith.constant 4 : i32
        %mul3A_692 = arith.muli %add3A_675, %mul3A_691 : i32
        %add3A_693 = arith.constant 1 : i32
        %add3A_694 = arith.addi %mul3A_692, %add3A_693 : i32
        %dma_start3A_695 = arith.constant 1 : i32
        %dma_start3A_696 = arith.constant 100 : i32
        %dma_start3A_697 = arith.constant 0 : i32
        %dma_start3A_698 = tpu.memref_slice %arg6[%dma_start3A_695, %dma_start3A_696, %dma_start3A_697] : memref<2x400x64xf32, #tpu.memory_space<vmem>> -> memref<1x100x64xf32, #tpu.memory_space<vmem>>
        %dma_start3A_699 = tpu.memref_squeeze %dma_start3A_698 : memref<1x100x64xf32, #tpu.memory_space<vmem>> -> memref<100x64xf32, #tpu.memory_space<vmem>>
        %dma_start3A_700 = arith.constant 0 : i32
        %dma_start3A_701 = tpu.memref_slice %arg5[%add3A_694, %dma_start3A_700] : memref<256x100xi32, #tpu.memory_space<vmem>> -> memref<1x100xi32, #tpu.memory_space<vmem>>
        %dma_start3A_702 = tpu.memref_squeeze %dma_start3A_701 : memref<1x100xi32, #tpu.memory_space<vmem>> -> memref<100xi32, #tpu.memory_space<vmem>>
        %dma_start3A_703 = arith.constant 0 : i32
        %dma_start3A_704 = arith.constant 0 : i32
        %dma_start3A_705 = tpu.memref_slice %arg2[%dma_start3A_703, %dma_start3A_704] : memref<1000000x64xf32, #tpu.memory_space<hbm>> -> memref<1000000x64xf32, #tpu.memory_space<hbm>>
        tpu.enqueue_indirect_dma source(%dma_start3A_705 : memref<1000000x64xf32, #tpu.memory_space<hbm>>) target(%dma_start3A_699 : memref<100x64xf32, #tpu.memory_space<vmem>>) offsets(%dma_start3A_702 : memref<100xi32, #tpu.memory_space<vmem>>) semaphore(%arg9 : memref<!tpu.dma_semaphore, #tpu.memory_space<semaphore_mem>>)
        %mul3A_706 = arith.constant 4 : i32
        %mul3A_707 = arith.muli %add3A_675, %mul3A_706 : i32
        %add3A_708 = arith.constant 2 : i32
        %add3A_709 = arith.addi %mul3A_707, %add3A_708 : i32
        %dma_start3A_710 = arith.constant 1 : i32
        %dma_start3A_711 = arith.constant 200 : i32
        %dma_start3A_712 = arith.constant 0 : i32
        %dma_start3A_713 = tpu.memref_slice %arg6[%dma_start3A_710, %dma_start3A_711, %dma_start3A_712] : memref<2x400x64xf32, #tpu.memory_space<vmem>> -> memref<1x100x64xf32, #tpu.memory_space<vmem>>
        %dma_start3A_714 = tpu.memref_squeeze %dma_start3A_713 : memref<1x100x64xf32, #tpu.memory_space<vmem>> -> memref<100x64xf32, #tpu.memory_space<vmem>>
        %dma_start3A_715 = arith.constant 0 : i32
        %dma_start3A_716 = tpu.memref_slice %arg5[%add3A_709, %dma_start3A_715] : memref<256x100xi32, #tpu.memory_space<vmem>> -> memref<1x100xi32, #tpu.memory_space<vmem>>
        %dma_start3A_717 = tpu.memref_squeeze %dma_start3A_716 : memref<1x100xi32, #tpu.memory_space<vmem>> -> memref<100xi32, #tpu.memory_space<vmem>>
        %dma_start3A_718 = arith.constant 0 : i32
        %dma_start3A_719 = arith.constant 0 : i32
        %dma_start3A_720 = tpu.memref_slice %arg2[%dma_start3A_718, %dma_start3A_719] : memref<1000000x64xf32, #tpu.memory_space<hbm>> -> memref<1000000x64xf32, #tpu.memory_space<hbm>>
        tpu.enqueue_indirect_dma source(%dma_start3A_720 : memref<1000000x64xf32, #tpu.memory_space<hbm>>) target(%dma_start3A_714 : memref<100x64xf32, #tpu.memory_space<vmem>>) offsets(%dma_start3A_717 : memref<100xi32, #tpu.memory_space<vmem>>) semaphore(%arg9 : memref<!tpu.dma_semaphore, #tpu.memory_space<semaphore_mem>>)
        %mul3A_721 = arith.constant 4 : i32
        %mul3A_722 = arith.muli %add3A_675, %mul3A_721 : i32
        %add3A_723 = arith.constant 3 : i32
        %add3A_724 = arith.addi %mul3A_722, %add3A_723 : i32
        %dma_start3A_725 = arith.constant 1 : i32
        %dma_start3A_726 = arith.constant 300 : i32
        %dma_start3A_727 = arith.constant 0 : i32
        %dma_start3A_728 = tpu.memref_slice %arg6[%dma_start3A_725, %dma_start3A_726, %dma_start3A_727] : memref<2x400x64xf32, #tpu.memory_space<vmem>> -> memref<1x100x64xf32, #tpu.memory_space<vmem>>
        %dma_start3A_729 = tpu.memref_squeeze %dma_start3A_728 : memref<1x100x64xf32, #tpu.memory_space<vmem>> -> memref<100x64xf32, #tpu.memory_space<vmem>>
        %dma_start3A_730 = arith.constant 0 : i32
        %dma_start3A_731 = tpu.memref_slice %arg5[%add3A_724, %dma_start3A_730] : memref<256x100xi32, #tpu.memory_space<vmem>> -> memref<1x100xi32, #tpu.memory_space<vmem>>
        %dma_start3A_732 = tpu.memref_squeeze %dma_start3A_731 : memref<1x100xi32, #tpu.memory_space<vmem>> -> memref<100xi32, #tpu.memory_space<vmem>>
        %dma_start3A_733 = arith.constant 0 : i32
        %dma_start3A_734 = arith.constant 0 : i32
        %dma_start3A_735 = tpu.memref_slice %arg2[%dma_start3A_733, %dma_start3A_734] : memref<1000000x64xf32, #tpu.memory_space<hbm>> -> memref<1000000x64xf32, #tpu.memory_space<hbm>>
        tpu.enqueue_indirect_dma source(%dma_start3A_735 : memref<1000000x64xf32, #tpu.memory_space<hbm>>) target(%dma_start3A_729 : memref<100x64xf32, #tpu.memory_space<vmem>>) offsets(%dma_start3A_732 : memref<100xi32, #tpu.memory_space<vmem>>) semaphore(%arg9 : memref<!tpu.dma_semaphore, #tpu.memory_space<semaphore_mem>>)
      } else {
      }
    }
    %scan3A_102 = arith.constant 32 : i32
    %mul3A_103 = arith.constant 128 : i32
    %mul3A_104 = arith.muli %add3A, %mul3A_103 : i32
    "tpu.region"() ({
      %run_scoped3A = tpu.sem_alloc : memref<!tpu.dma_semaphore, #tpu.memory_space<semaphore_mem>>
      %dma_start3A_105 = arith.constant 0 : i32
      %dma_start3A_106 = tpu.memref_slice %arg4[%mul3A_104, %dma_start3A_105] : memref<4096x256xf32, #tpu.memory_space<hbm>> -> memref<128x256xf32, #tpu.memory_space<hbm>>
      %dma_start3A_107 = arith.constant 0 : i32
      %dma_start3A_108 = tpu.memref_slice %arg4[%mul3A_104, %dma_start3A_107] : memref<4096x256xf32, #tpu.memory_space<hbm>> -> memref<128x256xf32, #tpu.memory_space<hbm>>
      tpu.enqueue_dma source(%arg7 : memref<128x256xf32, #tpu.memory_space<vmem>>) target(%dma_start3A_108 : memref<128x256xf32, #tpu.memory_space<hbm>>) target_semaphore(%run_scoped3A : memref<!tpu.dma_semaphore, #tpu.memory_space<semaphore_mem>>)
      %dma_wait3A = arith.constant 0 : i32
      %dma_wait3A_109 = tpu.memref_slice %arg4[%mul3A_104, %dma_wait3A] : memref<4096x256xf32, #tpu.memory_space<hbm>> -> memref<128x256xf32, #tpu.memory_space<hbm>>
      %dma_wait3A_110 = arith.constant 0 : i32
      %dma_wait3A_111 = tpu.memref_slice %arg4[%mul3A_104, %dma_wait3A_110] : memref<4096x256xf32, #tpu.memory_space<hbm>> -> memref<128x256xf32, #tpu.memory_space<hbm>>
      tpu.wait_dma2 semaphore(%run_scoped3A : memref<!tpu.dma_semaphore, #tpu.memory_space<semaphore_mem>>) src(%arg7 : memref<128x256xf32, #tpu.memory_space<vmem>>) dst(%dma_wait3A_111 : memref<128x256xf32, #tpu.memory_space<hbm>>)
      tpu.yield
    }) : () -> ()
    return
  }
}

</mosaic_0001>

<sc_bundles>
// kernel: kernel.3.cloned.1.call-start
scs
__scs_entry_jumppad:
0x0: {  	(pc) =	sbr.rel $0x88, $3  }
0x1: {  	(tag) =	ssettag $0x0;
	lr =	simm.s32 $0x1  }
0x2: {  	[smem:$0x3F9F] =	sst lr;
	_ =	strace $0xD0000000  }
0x3: {  	_ = 	snop  }
0x4: {  	_ = 	snop  }
0x5: {  	_ = 	snop  }
0x6: {  	_ = 	snop  }
0x7: {  	_ = 	snop  }
__scs_overlays_trampoline_lowered:
0x8: {  	[smem:$0x3FAE] =	sst s0  }
0x9: {  	[smem:$0x3FAF] =	sst s1  }
0xa: {  	[smem:$0x3FB0] =	sst s2  }
0xb: {  	[smem:$0x3FB1] =	sst s3  }
0xc: {  	[smem:$0x3FB2] =	sst s4  }
0xd: {  	[smem:$0x3FB3] =	sst s5  }
0xe: {  	[smem:$0x3FB4] =	sst s6  }
0xf: {  	[smem:$0x3FB5] =	sst s7  }
0x10: {  	[smem:$0x3FB6] =	sst s8  }
0x11: {  	[smem:$0x3FB7] =	sst s9;
	s0 =	simm.s32 @!p0 $0x0  }
0x12: {  	s1 =	sld [smem:$0x3F9D];
	s0 =	simm.s32 @p0 $0x1  }
0x13: {  	[smem:$0x3FB8] =	sst s0;
	s0 =	simm.s32 @!p1 $0x0  }
0x14: {  	s2 =	sld [smem:$0x3F9C];
	s0 =	simm.s32 @p1 $0x1  }
0x15: {  	[smem:$0x3FB9] =	sst s0;
	s0 =	simm.s32 @!p2 $0x0  }
0x16: {  	s3 =	sld [smem:$0x3FDB];
	s0 =	simm.s32 @p2 $0x1  }
0x17: {  	s4 =	simm.s32 $0x1BF5;
	[smem:$0x3FBB] =	sst s0  }
0x18: {  	s0 =	sld [smem:$0x3F9E];
	_ =	swait.ge [sflag:s4], $0x0  }
0x19: {  	s7 =	sld [smem:$0x3F9F]  }
0x1a: {  	s8 =	sadd.s32 $0xFFFFE003, lr  }
0x1b: {  	s9 =	sadd.s32 $0xFFFFFEF7, lr;
	s5 =	simm.s32 $0xFFFFFFFF;
	p2 =	slt.u32 s8, $0xFFFFF086  }
0x1c: {  	p1 =	slt.u32 s9, $0xF7A;
	s5 =	simm.s32 @!p2 $0x0  }
0x1d: {  	s5 =	simm.s32 @p1 $0x1;
	p0 =	seq.s32 s7, s2  }
0x1e: {  	s7 =	smul.u32 @!p0 $0xF7A, s2;
	p2 =	seq.s32 @!p0 s5, $0x0  }
0x1f: {  	s9 =	smul.u32 $0xF7A, s1;
	s8 =	simm.s32 @!p0 $0x1BF5;
	p2 =	por !p2, p0  }
0x20: {  	[sflag:s8] =	ssyncset.s32 @!p0 $0xFFFFF086;
	s6 =	sadd.s32 @!p0 s3, s7;
	s7 =	simm.s32 @!p0 $0x108  }
0x21: {  	s3 =	sadd.s32 s3, s9;
	s6 =	sadd.s32 @!p0 $0x88, s6;
	s7 =	simm.s32 @p2 $0x1082  }
0x22: {  	[simem:s7], [sflag:s8] =	dma.local @!p0 [hbm:s6], $0xF7A  }
0x23: {  	s9 =	sor.u32 $0xD0000000, s2;
	s6 =	simm.s32 $0x108;
	_ =	swait.ge @!p0 [sflag:s8], $0x0  }
0x24: {  	s3 =	sadd.s32 $0x88, s3;
	s6 =	simm.s32 @!p1 $0x1082;
	[sflag:s4] =	ssyncset.s32 $0xFFFFF086  }
0x25: {  	[simem:s6], [sflag:s4] =	dma.local [hbm:s3], $0xF7A  }
0x26: {  	[smem:$0x3F9F] =	sst s1;
	(tag) =	ssettag s2;
	_ =	strace s9  }
0x27: {  	s1 =	sld [smem:$0x3FAF]  }
0x28: {  	s2 =	sld [smem:$0x3FB0]  }
0x29: {  	s4 =	sld [smem:$0x3FB2]  }
0x2a: {  	p0 =	seq.s32 s5, $0x0;
	s5 =	sld [smem:$0x3FB3]  }
0x2b: {  	s6 =	sld [smem:$0x3FB4]  }
0x2c: {  	s7 =	sld [smem:$0x3FB5]  }
0x2d: {  	s3 =	simm.s32 $0x108;
	s8 =	sld [smem:$0x3FB6]  }
0x2e: {  	s3 =	simm.s32 @!p0 $0x1082;
	s9 =	sld [smem:$0x3FB7]  }
0x2f: {  	lr =	sadd.s32 s0, s3;
	s0 =	sld [smem:$0x3FAE]  }
0x30: {  	s3 =	sld [smem:$0x3FB1]  }
0x31: {  	[smem:$0x3FBA] =	sst s10  }
0x32: {  	s10 =	sld [smem:$0x3FB8];
	_ =	sdelay $0x3  }
0x33: {  	p0 =	seq.s32 s10, $0x1;
	s10 =	sld [smem:$0x3FBA];
	_ =	sdelay $0x3  }
0x34: {  	[smem:$0x3FBA] =	sst s10  }
0x35: {  	s10 =	sld [smem:$0x3FB9];
	_ =	sdelay $0x3  }
0x36: {  	p1 =	seq.s32 s10, $0x1;
	s10 =	sld [smem:$0x3FBA];
	_ =	sdelay $0x3  }
0x37: {  	[smem:$0x3FBA] =	sst s10  }
0x38: {  	s10 =	sld [smem:$0x3FBB]  }
0x39: {  	_ = 	snop;
	(pc) =	sbr.ind lr, $3  }
0x3a: {  	_ = 	snop  }
0x3b: {  	_ = 	snop  }
0x3c: {  	p2 =	seq.s32 s10, $0x1;
	s10 =	sld [smem:$0x3FBA]  }
0x3d: {  	_ =	shalt  }
0x3e: {  	_ =	shalt  }
0x3f: {  	_ =	shalt  }
0x40: {  	_ =	shalt  }
0x41: {  	_ =	shalt  }
0x42: {  	_ =	shalt  }
0x43: {  	_ =	shalt  }
0x44: {  	_ =	shalt  }
0x45: {  	_ =	shalt  }
0x46: {  	_ =	shalt  }
0x47: {  	_ =	shalt  }
0x48: {  	_ =	shalt  }
0x49: {  	_ =	shalt  }
0x4a: {  	_ =	shalt  }
0x4b: {  	_ =	shalt  }
0x4c: {  	_ =	shalt  }
0x4d: {  	_ =	shalt  }
0x4e: {  	_ =	shalt  }
0x4f: {  	_ =	shalt  }
0x50: {  	_ =	shalt  }
0x51: {  	_ =	shalt  }
0x52: {  	_ =	shalt  }
0x53: {  	_ =	shalt  }
0x54: {  	_ =	shalt  }
0x55: {  	_ =	shalt  }
0x56: {  	_ =	shalt  }
0x57: {  	_ =	shalt  }
0x58: {  	_ =	shalt  }
0x59: {  	_ =	shalt  }
0x5a: {  	_ =	shalt  }
0x5b: {  	_ =	shalt  }
0x5c: {  	_ =	shalt  }
0x5d: {  	_ =	shalt  }
0x5e: {  	_ =	shalt  }
0x5f: {  	_ =	shalt  }
0x60: {  	_ =	shalt  }
0x61: {  	_ =	shalt  }
0x62: {  	_ =	shalt  }
0x63: {  	_ =	shalt  }
0x64: {  	_ =	shalt  }
0x65: {  	_ =	shalt  }
0x66: {  	_ =	shalt  }
0x67: {  	_ =	shalt  }
0x68: {  	_ =	shalt  }
0x69: {  	_ =	shalt  }
0x6a: {  	_ =	shalt  }
0x6b: {  	_ =	shalt  }
0x6c: {  	_ =	shalt  }
0x6d: {  	_ =	shalt  }
0x6e: {  	_ =	shalt  }
0x6f: {  	_ =	shalt  }
0x70: {  	_ =	shalt  }
0x71: {  	_ =	shalt  }
0x72: {  	_ =	shalt  }
0x73: {  	_ =	shalt  }
0x74: {  	_ =	shalt  }
0x75: {  	_ =	shalt  }
0x76: {  	_ =	shalt  }
0x77: {  	_ =	shalt  }
0x78: {  	_ =	shalt  }
0x79: {  	_ =	shalt  }
0x7a: {  	_ =	shalt  }
0x7b: {  	_ =	shalt  }
0x7c: {  	_ =	shalt  }
0x7d: {  	_ =	shalt  }
0x7e: {  	_ =	shalt  }
0x7f: {  	_ =	shalt  }
0x80: {  	_ =	shalt  }
0x81: {  	_ =	shalt  }
0x82: {  	_ =	shalt  }
0x83: {  	_ =	shalt  }
0x84: {  	_ =	shalt  }
0x85: {  	_ =	shalt  }
0x86: {  	_ =	shalt  }
0x87: {  	_ =	shalt  }
.Lfunc_end0:
.L_simem_size_0:
called_computation_lowered:
.L_overlay_start_0:
0x88: {  	s2 =	sld [smem:$0x3FD9]  }
0x89: {  	s3 =	sld [smem:$0x3FFE];
	_ =	sdelay $0x1  }
0x8a: {  	s1 =	srdreg.scid  }
0x8b: {  	s0 =	sand.u32 $0x1, s1  }
0x8c: {  	s17 =	sshll.u32 s0, $0xA;
	s2 =	sadd.s32 s3, s2  }
0x8d: {  	s2 =	sadd.s32 s2, s17  }
0x8e: {  	[smem:$0x3FC6] =	sst s2  }
0x8f: {  	_ = 	snop  }
0x90: {  	s2 =	sld [smem:$0x3FD0];
	(tm) =	ssettm $0x1  }
0x91: {  	s18 =	sld [smem:$0x3FFB];
	_ =	sdelay $0x3  }
0x92: {  	_ =	strace s18  }
0x93: {  	s3 =	sld [smem:$0x3FFC];
	_ =	sdelay $0x3  }
0x94: {  	_ =	strace s3  }
0x95: {  	s3 =	sld [smem:$0x3FFD];
	_ =	sdelay $0x3  }
0x96: {  	_ =	strace s3  }
0x97: {  	_ =	strace $0x8FFFFFFF  }
0x98: {  	s19 =	sld [smem:$0x3FDB];
	_ =	sdelay $0x1  }
0x99: {  	s4 =	simm.s32 $_scs_section_size  }
0x9a: {  	s5 =	simm.s32 $_size__tile_overlayer_lowered;
	s6 =	simm.s32 $_tile_overlayer_lowered  }
0x9b: {  	s22 =	simm.s32 $0x1BFF;
	s21 =	sshll.u32 s6, $0x1;
	s3 =	sadd.s32 s4, s19  }
0x9c: {  	s7 =	simm.s32 $0x0;
	s20 =	sshll.u32 s5, $0x1;
	s5 =	sadd.s32 s21, s3  }
0x9d: {  	[timem:s7], [sflag:s22] =	dma.local [hbm:s5], s20  }
0x9e: {  	_ =	swait.ge [sflag:s22], s20  }
0x9f: {  	s4 =	ssub.s32 $0x0, s20;
	[sflag:s22] =	ssyncset.done $0x0  }
0xa0: {  	[sflag:s22] =	ssyncadd.s32 s4;
	_ =	sdelay $0x1  }
0xa1: {  	s23 =	simm.s32 $0x1B8B  }
0xa2: {  	_ =	swait.ge [sflag:s23], $0x1  }
0xa3: {  	[sflag:s23] =	ssyncset.done $0x0  }
0xa4: {  	s25 =	simm.s32 $0x1B8E;
	s24 =	sld [smem:$0x3FFE];
	[sflag:s23] =	ssyncadd.s32 $0xFFFFFFFF  }
0xa5: {  	s26 =	simm.s32 $execute0_lowered;
	[smem:$0x3FD2] =	sst s25  }
0xa6: {  	s5 =	sshll.u32 s26, $0x1;
	_ =	strace $0x80000046;
	[dreg:$0x1] =	wrdreg $0xFFFFFFFF  }
0xa7: {  	s28 =	simm.s32 $_size_execute0_lowered;
	s3 =	sadd.s32 s3, s5;
	[dreg:$0x0] =	wrdreg $0x0  }
0xa8: {  	s5 =	sshll.u32 s28, $0x1;
	[dreg:$0x2] =	wrdreg s3  }
0xa9: {  	[dreg:$0x3] =	wrdreg s5  }
0xaa: {  	[dreg:$0x4] =	wrdreg $0xC0  }
0xab: {  	_ =	task [dreg:s7], $0x5FFFF  }
0xac: {  	[dreg:$0x1] =	wrdreg $0xFFFFFFFF  }
0xad: {  	[dreg:$0x0] =	wrdreg $0x60  }
0xae: {  	[dreg:$0x2] =	wrdreg s24  }
0xaf: {  	[dreg:$0x3] =	wrdreg s2  }
0xb0: {  	[dreg:$0x4] =	wrdreg $0x9  }
0xb1: {  	_ =	task.clear_ibuf [dreg:s7], $0x5FFFF;
	_ =	strace $0x90000046  }
0xb2: {  	s29 =	simm.s32 $0x9;
	_ =	strace $0x80000048  }
0xb3: {  	_ =	swait.ge [sflag:s29], $0x1  }
0xb4: {  	[sflag:s29] =	ssyncadd.s32 $0xFFFFFFFF  }
0xb5: {  	_ =	strace $0x90000048  }
0xb6: {  	_ =	sfence  }
0xb7: {  	s30 =	sld [smem:$0x0];
	_ =	sdelay $0x2  }
0xb8: {  	s31 =	sshll.u32 s1, $0xD;
	s1 =	sshrl.u32 s1, $0x2  }
0xb9: {  	s3 =	sand.u32 $0x4000, s31;
	s1 =	sadd.s32 s1, s30  }
0xba: {  	s0 =	sor.u32 s3, s0;
	s1 =	sshll.u32 s1, $0x11  }
0xbb: {  	s0 =	sor.u32 s1, s0  }
0xbc: {  	s0 =	sadd.s32 $0x8F2B, s0  }
0xbd: {  	[sflag:s0] =	ssyncadd.remote.s32 $0x1  }
0xbe: {  	_ =	sfence.sel $0xFFFF  }
0xbf: {  	[dreg:$0x0] =	wrdreg $0xFFFFFFFF;
	(pc) =	sbr.abs _section_cstart, $3  }
0xc0: {  	[dreg:$0x1] =	wrdreg $0xFFFFFFFF  }
0xc1: {  	_ =	task.clear_ibuf [dreg:s7], $0x2FFFF;
	_ =	strace $0x9FFFFFFF  }
0xc2: {  	(tm) =	ssettm $0x7FFFFFFF  }
0xc3: {  	_ =	shalt  }
tec
execute0_lowered:
.L_overlay_start_1:
0x0: {  	(tag) =	ssettag $0x1  }
0x1: {  	s0 =	rddreg [dreg:$0x0]  }
0x2: {  	s4 =	rddreg [dreg:$0x1]  }
0x3: {  	s2 =	simm.s32 $0x0;
	s3 =	srdreg.scid;
	s1 =	stileid.u32  }
0x4: {  	s10 =	simm.s32 $0x68;
	s11 =	simm.s32 $0x8100;
	s12 =	simm.s32 $0xD0  }
0x5: {  	s13 =	simm.s32 $0x9A00;
	s14 =	simm.s32 $0x138;
	s15 =	simm.s32 $0xB300  }
0x6: {  	s16 =	simm.s32 $0x1A0;
	s17 =	simm.s32 $0xCC00;
	s18 =	simm.s32 $0x208  }
0x7: {  	s19 =	simm.s32 $0xE500;
	s20 =	simm.s32 $0x270;
	s21 =	simm.s32 $0xFE00  }
0x8: {  	s22 =	simm.s32 $0x2D8;
	s23 =	simm.s32 $0x11700;
	s24 =	simm.s32 $0x1  }
0x9: {  	s25 =	simm.s32 $0x2;
	s26 =	simm.s32 $0x13000;
	s28 =	simm.s32 $0x0  }
0xa: {  	[smem:$0x7FF] =	sst s2;
	s3 =	sand.u32 $0x1, s3;
	s5 =	sshll.u32 s1, $0x1  }
.Ltmp0:
0xb: {  	_ =	strace $0x80000047;
	s5 =	sor.u32 s3, s5;
	(pc) =	sbr.rel .LBB2_1-.Ltmp0, $4  }
0xc: {  	s6 =	ssub.s32 $0x2, s3;
	s3 =	sadd.s32 $0xF42A00, s0;
	s7 =	sshll.u32 s5, $0xC  }
0xd: {  	s8 =	sshrl.u32 s6, $0x1;
	s5 =	smul.u32 $0xD00, s5;
	s0 =	sadd.s32 s7, s0  }
0xe: {  	s6 =	ssub.s32 s6, s8;
	s7 =	simm.s32 $0x3;
	s8 =	simm.s32 $0x64  }
0xf: {  	s4 =	sadd.s32 s4, s5;
	s5 =	sadd.s32 $0x600, s0;
	s6 =	smax.u32 s6, $0x1  }
.LBB2_12:
0x10: {  	s28 =	sadd.s32 $0x1, s28  }
0x11: {  	p0 =	sne.s32 s28, s6  }
.Ltmp1:
0x12: {  	_ = 	snop;
	(pc) =	sbr.rel @!p0 .LBB2_13-.Ltmp1, $4  }
0x13: {  	[hbm4b:s5+s2] =	stream.linear.scatter [tilespmem:s26], [sflag:$0x3], $0x8000, $0x38;
	[tilespmem:$0x1B000] =	vst v63  }
0x14: {  	_ =	swait.ge [sflag:s7], $0x8000  }
0x15: {  	[sflag:s7] =	ssyncset.done $0x0  }
0x16: {  	[sflag:s7] =	ssyncadd.s32 $0xFFFF8000  }
.LBB2_1:
0x17: {  	[tilespmem:s2], [sflag:$0x3] =	stream.linear.gather [hbm4b:s4+s2], $0x6800, $0x38;
	[tilespmem:$0x1B000] =	vst v63  }
0x18: {  	_ =	swait.ge [sflag:s7], $0x6800  }
0x19: {  	[sflag:s7] =	ssyncset.done $0x0  }
0x1a: {  	s0 =	simm.s32 $0x6800;
	[sflag:s7] =	ssyncadd.s32 $0xFFFF9800  }
0x1b: {  	[tilespmem:s0], [sflag:$0x1] =	stream.indirect.gather [hbm4b:s3+s8], $0x40, s2, s8, $0xb8;
	[tilespmem:$0x1B000] =	vst v63  }
0x1c: {  	_ = 	snop  }
0x1d: {  	[tilespmem:s11], [sflag:$0x1] =	stream.indirect.gather [hbm4b:s3+s8], $0x40, s10, s8, $0xb8;
	[tilespmem:$0x1B000] =	vst v63  }
0x1e: {  	_ = 	snop  }
0x1f: {  	[tilespmem:s13], [sflag:$0x1] =	stream.indirect.gather [hbm4b:s3+s8], $0x40, s12, s8, $0xb8;
	[tilespmem:$0x1B000] =	vst v63  }
0x20: {  	_ = 	snop  }
0x21: {  	[tilespmem:s15], [sflag:$0x1] =	stream.indirect.gather [hbm4b:s3+s8], $0x40, s14, s8, $0xb8;
	[tilespmem:$0x1B000] =	vst v63  }
0x22: {  	_ = 	snop  }
0x23: {  	[tilespmem:s17], [sflag:$0x2] =	stream.indirect.gather [hbm4b:s3+s8], $0x40, s16, s8, $0xb8;
	[tilespmem:$0x1B000] =	vst v63  }
0x24: {  	_ = 	snop  }
0x25: {  	[tilespmem:s19], [sflag:$0x2] =	stream.indirect.gather [hbm4b:s3+s8], $0x40, s18, s8, $0xb8;
	[tilespmem:$0x1B000] =	vst v63  }
0x26: {  	_ = 	snop  }
0x27: {  	[tilespmem:s21], [sflag:$0x2] =	stream.indirect.gather [hbm4b:s3+s8], $0x40, s20, s8, $0xb8;
	[tilespmem:$0x1B000] =	vst v63  }
0x28: {  	s29 =	simm.s32 $0x0  }
0x29: {  	[tilespmem:s23], [sflag:$0x2] =	stream.indirect.gather [hbm4b:s3+s8], $0x40, s22, s8, $0xb8;
	[tilespmem:$0x1B000] =	vst v63  }
.LBB2_2:
0x2a: {  	_ =	swait.ge [sflag:s24], $0x1900  }
0x2b: {  	[sflag:s24] =	ssyncset.done $0x0  }
0x2c: {  	[sflag:s24] =	ssyncadd.s32 $0xFFFFE700  }
0x2d: {  	_ =	swait.ge [sflag:s24], $0x1900  }
0x2e: {  	[sflag:s24] =	ssyncset.done $0x0  }
0x2f: {  	[sflag:s24] =	ssyncadd.s32 $0xFFFFE700  }
0x30: {  	_ =	swait.ge [sflag:s24], $0x1900  }
0x31: {  	[sflag:s24] =	ssyncset.done $0x0  }
0x32: {  	[sflag:s24] =	ssyncadd.s32 $0xFFFFE700  }
0x33: {  	_ =	swait.ge [sflag:s24], $0x1900  }
0x34: {  	[sflag:s24] =	ssyncset.done $0x0  }
0x35: {  	s30 =	simm.s32 $0x0;
	[sflag:s24] =	ssyncadd.s32 $0xFFFFE700  }
0x36: {  	v0 =	vld [tilespmem:s30+$0x6840]  }
0x37: {  	v2 =	vld [tilespmem:s30+$0x6800]  }
0x38: {  	v14 =	vld [tilespmem:s30+$0x6810]  }
0x39: {  	v16 =	vld [tilespmem:s30+$0x6880]  }
0x3a: {  	v15 =	vld [tilespmem:s30+$0x6850]  }
0x3b: {  	v6 =	vimm.f32 $-Inf;
	v10 =	vimm.f32 $0.0e+00;
	v1 =	vld [tilespmem:s30+$0x68C0]  }
0x3c: {  	v7 =	vimm.f32 $+Inf;
	v13 =	vimm.f32 $0.0e+00;
	v4 =	vadd.f32 v2, v10  }
0x3d: {  	v11 =	vld [tilespmem:s30+$0x68D0];
	v3 =	vmax.f32 v6, v2;
	v2 =	vmin.f32 v7, v2;
	v5 =	vadd.f32 v14, v10  }
0x3e: {  	v17 =	vld [tilespmem:s30+$0x6890];
	v3 =	vmax.f32 v3, v0;
	v2 =	vmin.f32 v2, v0;
	v20 =	vadd.f32 v0, v4  }
0x3f: {  	v12 =	vld [tilespmem:s30+$0x6860];
	v3 =	vmax.f32 v3, v16;
	v2 =	vmin.f32 v2, v16;
	v19 =	vadd.f32 v15, v5  }
0x40: {  	v18 =	vld [tilespmem:s30+$0x6820];
	v4 =	vimm.f32 $-Inf;
	v5 =	vimm.f32 $+Inf;
	v9 =	vmax.f32 v3, v1  }
0x41: {  	s31 =	simm.s32 $0x400;
	v0 =	vld [tilespmem:s30+$0x68E0];
	v8 =	vmin.f32 v2, v1;
	v3 =	vimm.f32 $-Inf;
	v2 =	vimm.f32 $+Inf  }
.LBB2_3:
0x42: {  	p0 =	sne.s32 s31, $0xC400;
	v6 =	vmax.f32 v6, v14;
	v7 =	vmin.f32 v7, v14;
	v21 =	vld [tilespmem:s30+$0x6830];
	v14 =	vadd.f32 v16, v20  }
0x43: {  	v6 =	vmax.f32 v6, v15;
	v7 =	vmin.f32 v7, v15;
	v15 =	vadd.f32 v17, v19;
	v16 =	vld [tilespmem:s30+$0x68A0]  }
0x44: {  	s0 =	sshra.s32 s31, $0x2;
	v19 =	vld [tilespmem:s30+$0x6870];
	v6 =	vmax.f32 v6, v17;
	v7 =	vmin.f32 v7, v17;
	v17 =	vadd.f32 v1, v14  }
0x45: {  	v1 =	vld [tilespmem:s0+$0x68C0];
	v6 =	vmax.f32 v6, v11;
	v7 =	vmin.f32 v7, v11;
	v20 =	vadd.f32 v11, v15  }
0x46: {  	v4 =	vmax.f32 v4, v18;
	v5 =	vmin.f32 v5, v18;
	v10 =	vadd.f32 v18, v10;
	v11 =	vld [tilespmem:s30+$0x68B0]  }
0x47: {  	v13 =	vadd.f32 v21, v13;
	v4 =	vmax.f32 v4, v12;
	v5 =	vmin.f32 v5, v12;
	v18 =	vld [tilespmem:s30+$0x68F0];
	s30 =	smov.u32 s0  }
0x48: {  	v22 =	vld [tilespmem:s30+$0x6840];
	v10 =	vadd.f32 v12, v10;
	v4 =	vmax.f32 v4, v16;
	v5 =	vmin.f32 v5, v16  }
0x49: {  	v12 =	vld [tilespmem:s30+$0x6800];
	v13 =	vadd.f32 v19, v13;
	v4 =	vmax.f32 v4, v0;
	v5 =	vmin.f32 v5, v0  }
0x4a: {  	v3 =	vmax.f32 v3, v21;
	v2 =	vmin.f32 v2, v21;
	v14 =	vld [tilespmem:s30+$0x6810];
	v10 =	vadd.f32 v16, v10  }
0x4b: {  	v3 =	vmax.f32 v3, v19;
	v2 =	vmin.f32 v2, v19;
	v16 =	vld [tilespmem:s30+$0x6880];
	v13 =	vadd.f32 v11, v13  }
0x4c: {  	v3 =	vmax.f32 v3, v11;
	v2 =	vmin.f32 v2, v11;
	v15 =	vld [tilespmem:s30+$0x6850];
	v10 =	vadd.f32 v0, v10  }
.Ltmp2:
0x4d: {  	v3 =	vmax.f32 v3, v18;
	v2 =	vmin.f32 v2, v18;
	v11 =	vld [tilespmem:s30+$0x68D0];
	v13 =	vadd.f32 v18, v13;
	(pc) =	sbr.rel @p0 .LBB2_3-.Ltmp2, $4  }
0x4e: {  	v0 =	vmax.f32 v9, v12;
	v8 =	vmin.f32 v8, v12;
	v9 =	vadd.f32 v12, v17;
	v17 =	vld [tilespmem:s30+$0x6890]  }
0x4f: {  	v19 =	vadd.f32 v14, v20;
	v18 =	vmax.f32 v0, v22;
	v8 =	vmin.f32 v8, v22;
	v0 =	vld [tilespmem:s30+$0x68E0]  }
0x50: {  	v20 =	vadd.f32 v22, v9;
	v12 =	vld [tilespmem:s30+$0x6860];
	v9 =	vmax.f32 v18, v16;
	v8 =	vmin.f32 v8, v16  }
0x51: {  	s31 =	sadd.s32 $0x400, s31;
	v18 =	vld [tilespmem:s30+$0x6820];
	v19 =	vadd.f32 v15, v19;
	v9 =	vmax.f32 v9, v1;
	v8 =	vmin.f32 v8, v1  }
0x52: {  	v21 =	vld [tilespmem:s30+$0x6830]  }
0x53: {  	v16 =	vadd.f32 v16, v20;
	v20 =	vld [tilespmem:s30+$0x68A0]  }
0x54: {  	v22 =	vld [tilespmem:s30+$0x6870]  }
0x55: {  	v6 =	vmax.f32 v6, v14;
	v7 =	vmin.f32 v7, v14;
	v14 =	vld [tilespmem:s30+$0x68B0];
	s0 =	sshll.u32 s29, $0xC  }
0x56: {  	v1 =	vadd.f32 v1, v16;
	v16 =	vld [tilespmem:s30+$0x68F0];
	s30 =	sshra.s32 s0, $0x2  }
0x57: {  	v6 =	vmax.f32 v6, v15;
	v7 =	vmin.f32 v7, v15;
	v15 =	vadd.f32 v17, v19;
	[tilespmem:s30+$0x13000] =	vst v9  }
0x58: {  	v6 =	vmax.f32 v6, v17;
	v7 =	vmin.f32 v7, v17;
	[tilespmem:s30+$0x13040] =	vst v8;
	v10 =	vadd.f32 v18, v10  }
0x59: {  	v6 =	vmax.f32 v6, v11;
	v7 =	vmin.f32 v7, v11;
	v8 =	vadd.f32 v11, v15;
	[tilespmem:s30+$0x130C0] =	vst v1  }
0x5a: {  	v9 =	vmul.f32 $4.999999890e-03, v1;
	v4 =	vmax.f32 v4, v18;
	[tilespmem:s30+$0x13010] =	vst v6;
	v10 =	vadd.f32 v12, v10  }
0x5b: {  	v5 =	vmin.f32 v5, v18;
	[tilespmem:s30+$0x13050] =	vst v7;
	v1 =	vmax.f32 v4, v12;
	v6 =	vmul.f32 $4.999999890e-03, v8  }
0x5c: {  	v5 =	vmin.f32 v5, v12;
	[tilespmem:s30+$0x13080] =	vst v9;
	v9 =	vadd.f32 v21, v13;
	v4 =	vadd.f32 v20, v10  }
0x5d: {  	[tilespmem:s30+$0x130D0] =	vst v8;
	v1 =	vmax.f32 v1, v20;
	v5 =	vmin.f32 v5, v20  }
0x5e: {  	[tilespmem:s30+$0x13090] =	vst v6;
	v1 =	vmax.f32 v1, v0;
	v7 =	vadd.f32 v22, v9;
	v4 =	vadd.f32 v0, v4  }
0x5f: {  	v3 =	vmax.f32 v3, v21;
	v2 =	vmin.f32 v2, v21;
	[tilespmem:s30+$0x13020] =	vst v1;
	v0 =	vmin.f32 v5, v0  }
0x60: {  	v5 =	vadd.f32 v14, v7;
	[tilespmem:s30+$0x13060] =	vst v0;
	v0 =	vmin.f32 v2, v22;
	v1 =	vmul.f32 $4.999999890e-03, v4  }
0x61: {  	v3 =	vmax.f32 v3, v22;
	v0 =	vmin.f32 v0, v14;
	[tilespmem:s30+$0x130E0] =	vst v4  }
0x62: {  	v2 =	vmax.f32 v3, v14;
	v3 =	vadd.f32 v16, v5;
	v0 =	vmin.f32 v0, v16;
	[tilespmem:s30+$0x130A0] =	vst v1  }
0x63: {  	v1 =	vmax.f32 v2, v16;
	[tilespmem:s30+$0x13070] =	vst v0  }
0x64: {  	[tilespmem:s30+$0x13030] =	vst v1;
	v1 =	vmul.f32 $4.999999890e-03, v3  }
0x65: {  	[tilespmem:s30+$0x130F0] =	vst v3  }
0x66: {  	s31 =	simm.s32 $0x0;
	[tilespmem:s30+$0x130B0] =	vst v1  }
0x67: {  	v0 =	vld [tilespmem:s31+$0x9A40]  }
0x68: {  	v2 =	vld [tilespmem:s31+$0x9A00]  }
0x69: {  	v14 =	vld [tilespmem:s31+$0x9A10]  }
0x6a: {  	v16 =	vld [tilespmem:s31+$0x9A80]  }
0x6b: {  	v15 =	vld [tilespmem:s31+$0x9A50]  }
0x6c: {  	v13 =	vimm.f32 $0.0e+00;
	v10 =	vimm.f32 $0.0e+00;
	v1 =	vld [tilespmem:s31+$0x9AC0]  }
0x6d: {  	v4 =	vimm.f32 $-Inf;
	v5 =	vimm.f32 $+Inf;
	v6 =	vadd.f32 v2, v10  }
0x6e: {  	v11 =	vld [tilespmem:s31+$0x9AD0];
	v3 =	vmax.f32 v4, v2;
	v2 =	vmin.f32 v5, v2;
	v7 =	vadd.f32 v14, v10  }
0x6f: {  	v17 =	vld [tilespmem:s31+$0x9A90];
	v3 =	vmax.f32 v3, v0;
	v2 =	vmin.f32 v2, v0;
	v20 =	vadd.f32 v0, v6  }
0x70: {  	v12 =	vld [tilespmem:s31+$0x9A60];
	v3 =	vmax.f32 v3, v16;
	v2 =	vmin.f32 v2, v16;
	v19 =	vadd.f32 v15, v7  }
0x71: {  	v18 =	vld [tilespmem:s31+$0x9A20];
	v6 =	vimm.f32 $-Inf;
	v7 =	vimm.f32 $+Inf;
	v9 =	vmax.f32 v3, v1  }
0x72: {  	s0 =	simm.s32 $0x400;
	v0 =	vld [tilespmem:s31+$0x9AE0];
	v8 =	vmin.f32 v2, v1;
	v3 =	vimm.f32 $-Inf;
	v2 =	vimm.f32 $+Inf  }
.LBB2_5:
0x73: {  	p0 =	sne.s32 s0, $0xC400;
	v4 =	vmax.f32 v4, v14;
	v5 =	vmin.f32 v5, v14;
	v21 =	vld [tilespmem:s31+$0x9A30];
	v14 =	vadd.f32 v16, v20  }
0x74: {  	v4 =	vmax.f32 v4, v15;
	v5 =	vmin.f32 v5, v15;
	v15 =	vadd.f32 v17, v19;
	v16 =	vld [tilespmem:s31+$0x9AA0]  }
0x75: {  	s1 =	sshra.s32 s0, $0x2;
	v19 =	vld [tilespmem:s31+$0x9A70];
	v4 =	vmax.f32 v4, v17;
	v5 =	vmin.f32 v5, v17;
	v17 =	vadd.f32 v1, v14  }
0x76: {  	v1 =	vld [tilespmem:s1+$0x9AC0];
	v4 =	vmax.f32 v4, v11;
	v5 =	vmin.f32 v5, v11;
	v20 =	vadd.f32 v11, v15  }
0x77: {  	v6 =	vmax.f32 v6, v18;
	v7 =	vmin.f32 v7, v18;
	v10 =	vadd.f32 v18, v10;
	v11 =	vld [tilespmem:s31+$0x9AB0]  }
0x78: {  	v13 =	vadd.f32 v21, v13;
	v6 =	vmax.f32 v6, v12;
	v7 =	vmin.f32 v7, v12;
	v18 =	vld [tilespmem:s31+$0x9AF0];
	s31 =	smov.u32 s1  }
0x79: {  	v22 =	vld [tilespmem:s31+$0x9A40];
	v10 =	vadd.f32 v12, v10;
	v6 =	vmax.f32 v6, v16;
	v7 =	vmin.f32 v7, v16  }
0x7a: {  	v12 =	vld [tilespmem:s31+$0x9A00];
	v13 =	vadd.f32 v19, v13;
	v6 =	vmax.f32 v6, v0;
	v7 =	vmin.f32 v7, v0  }
0x7b: {  	v3 =	vmax.f32 v3, v21;
	v2 =	vmin.f32 v2, v21;
	v14 =	vld [tilespmem:s31+$0x9A10];
	v10 =	vadd.f32 v16, v10  }
0x7c: {  	v3 =	vmax.f32 v3, v19;
	v2 =	vmin.f32 v2, v19;
	v16 =	vld [tilespmem:s31+$0x9A80];
	v13 =	vadd.f32 v11, v13  }
0x7d: {  	v3 =	vmax.f32 v3, v11;
	v2 =	vmin.f32 v2, v11;
	v15 =	vld [tilespmem:s31+$0x9A50];
	v10 =	vadd.f32 v0, v10  }
.Ltmp3:
0x7e: {  	v3 =	vmax.f32 v3, v18;
	v2 =	vmin.f32 v2, v18;
	v11 =	vld [tilespmem:s31+$0x9AD0];
	v13 =	vadd.f32 v18, v13;
	(pc) =	sbr.rel @p0 .LBB2_5-.Ltmp3, $4  }
0x7f: {  	v0 =	vmax.f32 v9, v12;
	v8 =	vmin.f32 v8, v12;
	v9 =	vadd.f32 v12, v17;
	v17 =	vld [tilespmem:s31+$0x9A90]  }
0x80: {  	v19 =	vadd.f32 v14, v20;
	v18 =	vmax.f32 v0, v22;
	v8 =	vmin.f32 v8, v22;
	v0 =	vld [tilespmem:s31+$0x9AE0]  }
0x81: {  	v20 =	vadd.f32 v22, v9;
	v12 =	vld [tilespmem:s31+$0x9A60];
	v9 =	vmax.f32 v18, v16;
	v8 =	vmin.f32 v8, v16  }
0x82: {  	s0 =	sadd.s32 $0x400, s0;
	v18 =	vld [tilespmem:s31+$0x9A20];
	v19 =	vadd.f32 v15, v19;
	v9 =	vmax.f32 v9, v1;
	v8 =	vmin.f32 v8, v1  }
0x83: {  	v21 =	vld [tilespmem:s31+$0x9A30]  }
0x84: {  	v16 =	vadd.f32 v16, v20;
	v20 =	vld [tilespmem:s31+$0x9AA0]  }
0x85: {  	v22 =	vld [tilespmem:s31+$0x9A70];
	v4 =	vmax.f32 v4, v14  }
0x86: {  	v5 =	vmin.f32 v5, v14;
	v14 =	vld [tilespmem:s31+$0x9AB0];
	v4 =	vmax.f32 v4, v15  }
0x87: {  	v5 =	vmin.f32 v5, v15;
	v15 =	vadd.f32 v17, v19;
	v1 =	vadd.f32 v1, v16;
	v16 =	vld [tilespmem:s31+$0x9AF0];
	[tilespmem:s30+$0x13100] =	vst v9  }
0x88: {  	v4 =	vmax.f32 v4, v17;
	v5 =	vmin.f32 v5, v17;
	[tilespmem:s30+$0x13140] =	vst v8;
	v10 =	vadd.f32 v18, v10  }
0x89: {  	v4 =	vmax.f32 v4, v11;
	v5 =	vmin.f32 v5, v11;
	v8 =	vadd.f32 v11, v15;
	[tilespmem:s30+$0x131C0] =	vst v1  }
0x8a: {  	v9 =	vmul.f32 $4.999999890e-03, v1;
	v6 =	vmax.f32 v6, v18;
	[tilespmem:s30+$0x13110] =	vst v4;
	v10 =	vadd.f32 v12, v10  }
0x8b: {  	v7 =	vmin.f32 v7, v18;
	[tilespmem:s30+$0x13150] =	vst v5;
	v1 =	vmax.f32 v6, v12;
	v4 =	vmul.f32 $4.999999890e-03, v8  }
0x8c: {  	v7 =	vmin.f32 v7, v12;
	[tilespmem:s30+$0x13180] =	vst v9;
	v9 =	vadd.f32 v21, v13;
	v6 =	vadd.f32 v20, v10  }
0x8d: {  	[tilespmem:s30+$0x131D0] =	vst v8;
	v1 =	vmax.f32 v1, v20;
	v5 =	vmin.f32 v7, v20  }
0x8e: {  	[tilespmem:s30+$0x13190] =	vst v4;
	v1 =	vmax.f32 v1, v0;
	v7 =	vadd.f32 v22, v9;
	v6 =	vadd.f32 v0, v6  }
0x8f: {  	v3 =	vmax.f32 v3, v21;
	v2 =	vmin.f32 v2, v21;
	[tilespmem:s30+$0x13120] =	vst v1;
	v0 =	vmin.f32 v5, v0  }
0x90: {  	v4 =	vadd.f32 v14, v7;
	[tilespmem:s30+$0x13160] =	vst v0;
	v0 =	vmin.f32 v2, v22;
	v1 =	vmul.f32 $4.999999890e-03, v6  }
0x91: {  	v3 =	vmax.f32 v3, v22;
	v0 =	vmin.f32 v0, v14;
	[tilespmem:s30+$0x131E0] =	vst v6  }
0x92: {  	p0 =	seq.s32 s29, $0x1F;
	v2 =	vmax.f32 v3, v14;
	v3 =	vadd.f32 v16, v4;
	v0 =	vmin.f32 v0, v16;
	[tilespmem:s30+$0x131A0] =	vst v1  }
0x93: {  	s0 =	smul.u32 @!p0 $0xD00, s29;
	v1 =	vmax.f32 v2, v16;
	[tilespmem:s30+$0x13170] =	vst v0  }
0x94: {  	[tilespmem:s30+$0x13130] =	vst v1;
	v1 =	vmul.f32 $4.999999890e-03, v3  }
0x95: {  	s0 =	sshra.s32 @!p0 s0, $0x2;
	[tilespmem:s30+$0x131F0] =	vst v3  }
0x96: {  	s9 =	simm.s32 @!p0 $0x6800;
	s31 =	simm.s32 @!p0 $0x64;
	s1 =	sadd.s32 @!p0 $0x340, s0;
	[tilespmem:s30+$0x131B0] =	vst v1  }
0x97: {  	[tilespmem:s9], [sflag:$0x1] =	stream.indirect.gather @!p0 [hbm4b:s3+s31], $0x40, s1, s31, $0xb8;
	[tilespmem:$0x1B000] =	vst v63  }
0x98: {  	s1 =	sadd.s32 @!p0 $0x3A8, s0;
	s9 =	simm.s32 @!p0 $0x8100  }
0x99: {  	[tilespmem:s9], [sflag:$0x1] =	stream.indirect.gather @!p0 [hbm4b:s3+s31], $0x40, s1, s31, $0xb8;
	[tilespmem:$0x1B000] =	vst v63  }
0x9a: {  	s1 =	sadd.s32 @!p0 $0x410, s0;
	s9 =	simm.s32 @!p0 $0x9A00  }
0x9b: {  	[tilespmem:s9], [sflag:$0x1] =	stream.indirect.gather @!p0 [hbm4b:s3+s31], $0x40, s1, s31, $0xb8;
	[tilespmem:$0x1B000] =	vst v63  }
0x9c: {  	s0 =	sadd.s32 @!p0 $0x478, s0;
	s1 =	simm.s32 @!p0 $0xB300  }
0x9d: {  	[tilespmem:s1], [sflag:$0x1] =	stream.indirect.gather @!p0 [hbm4b:s3+s31], $0x40, s0, s31, $0xb8;
	[tilespmem:$0x1B000] =	vst v63  }
0x9e: {  	_ =	swait.ge [sflag:s25], $0x1900  }
0x9f: {  	[sflag:s25] =	ssyncset.done $0x0  }
0xa0: {  	[sflag:s25] =	ssyncadd.s32 $0xFFFFE700  }
0xa1: {  	_ =	swait.ge [sflag:s25], $0x1900  }
0xa2: {  	[sflag:s25] =	ssyncset.done $0x0  }
0xa3: {  	[sflag:s25] =	ssyncadd.s32 $0xFFFFE700  }
0xa4: {  	_ =	swait.ge [sflag:s25], $0x1900  }
0xa5: {  	[sflag:s25] =	ssyncset.done $0x0  }
0xa6: {  	[sflag:s25] =	ssyncadd.s32 $0xFFFFE700  }
0xa7: {  	_ =	swait.ge [sflag:s25], $0x1900  }
0xa8: {  	[sflag:s25] =	ssyncset.done $0x0  }
0xa9: {  	s31 =	simm.s32 $0x0;
	[sflag:s25] =	ssyncadd.s32 $0xFFFFE700  }
0xaa: {  	v0 =	vld [tilespmem:s31+$0xCC40]  }
0xab: {  	v2 =	vld [tilespmem:s31+$0xCC00]  }
0xac: {  	v14 =	vld [tilespmem:s31+$0xCC10]  }
0xad: {  	v16 =	vld [tilespmem:s31+$0xCC80]  }
0xae: {  	v15 =	vld [tilespmem:s31+$0xCC50]  }
0xaf: {  	v13 =	vimm.f32 $0.0e+00;
	v10 =	vimm.f32 $0.0e+00;
	v1 =	vld [tilespmem:s31+$0xCCC0]  }
0xb0: {  	v5 =	vimm.f32 $+Inf;
	v4 =	vimm.f32 $-Inf;
	v6 =	vadd.f32 v2, v10  }
0xb1: {  	v11 =	vld [tilespmem:s31+$0xCCD0];
	v3 =	vmax.f32 v4, v2;
	v2 =	vmin.f32 v5, v2;
	v7 =	vadd.f32 v14, v10  }
0xb2: {  	v17 =	vld [tilespmem:s31+$0xCC90];
	v3 =	vmax.f32 v3, v0;
	v2 =	vmin.f32 v2, v0;
	v20 =	vadd.f32 v0, v6  }
0xb3: {  	v12 =	vld [tilespmem:s31+$0xCC60];
	v3 =	vmax.f32 v3, v16;
	v2 =	vmin.f32 v2, v16;
	v19 =	vadd.f32 v15, v7  }
0xb4: {  	v18 =	vld [tilespmem:s31+$0xCC20];
	v6 =	vimm.f32 $-Inf;
	v7 =	vimm.f32 $+Inf;
	v9 =	vmax.f32 v3, v1  }
0xb5: {  	s0 =	simm.s32 $0x400;
	v0 =	vld [tilespmem:s31+$0xCCE0];
	v8 =	vmin.f32 v2, v1;
	v3 =	vimm.f32 $-Inf;
	v2 =	vimm.f32 $+Inf  }
.LBB2_7:
0xb6: {  	p1 =	sne.s32 s0, $0xC400;
	v4 =	vmax.f32 v4, v14;
	v5 =	vmin.f32 v5, v14;
	v21 =	vld [tilespmem:s31+$0xCC30];
	v14 =	vadd.f32 v16, v20  }
0xb7: {  	v4 =	vmax.f32 v4, v15;
	v5 =	vmin.f32 v5, v15;
	v15 =	vadd.f32 v17, v19;
	v16 =	vld [tilespmem:s31+$0xCCA0]  }
0xb8: {  	s1 =	sshra.s32 s0, $0x2;
	v19 =	vld [tilespmem:s31+$0xCC70];
	v4 =	vmax.f32 v4, v17;
	v5 =	vmin.f32 v5, v17;
	v17 =	vadd.f32 v1, v14  }
0xb9: {  	v1 =	vld [tilespmem:s1+$0xCCC0];
	v4 =	vmax.f32 v4, v11;
	v5 =	vmin.f32 v5, v11;
	v20 =	vadd.f32 v11, v15  }
0xba: {  	v6 =	vmax.f32 v6, v18;
	v7 =	vmin.f32 v7, v18;
	v10 =	vadd.f32 v18, v10;
	v11 =	vld [tilespmem:s31+$0xCCB0]  }
0xbb: {  	v13 =	vadd.f32 v21, v13;
	v6 =	vmax.f32 v6, v12;
	v7 =	vmin.f32 v7, v12;
	v18 =	vld [tilespmem:s31+$0xCCF0];
	s31 =	smov.u32 s1  }
0xbc: {  	v22 =	vld [tilespmem:s31+$0xCC40];
	v10 =	vadd.f32 v12, v10;
	v6 =	vmax.f32 v6, v16;
	v7 =	vmin.f32 v7, v16  }
0xbd: {  	v12 =	vld [tilespmem:s31+$0xCC00];
	v13 =	vadd.f32 v19, v13;
	v6 =	vmax.f32 v6, v0;
	v7 =	vmin.f32 v7, v0  }
0xbe: {  	v3 =	vmax.f32 v3, v21;
	v2 =	vmin.f32 v2, v21;
	v14 =	vld [tilespmem:s31+$0xCC10];
	v10 =	vadd.f32 v16, v10  }
0xbf: {  	v3 =	vmax.f32 v3, v19;
	v2 =	vmin.f32 v2, v19;
	v16 =	vld [tilespmem:s31+$0xCC80];
	v13 =	vadd.f32 v11, v13  }
0xc0: {  	v3 =	vmax.f32 v3, v11;
	v2 =	vmin.f32 v2, v11;
	v15 =	vld [tilespmem:s31+$0xCC50];
	v10 =	vadd.f32 v0, v10  }
.Ltmp4:
0xc1: {  	v3 =	vmax.f32 v3, v18;
	v2 =	vmin.f32 v2, v18;
	v11 =	vld [tilespmem:s31+$0xCCD0];
	v13 =	vadd.f32 v18, v13;
	(pc) =	sbr.rel @p1 .LBB2_7-.Ltmp4, $4  }
0xc2: {  	v0 =	vmax.f32 v9, v12;
	v8 =	vmin.f32 v8, v12;
	v9 =	vadd.f32 v12, v17;
	v17 =	vld [tilespmem:s31+$0xCC90]  }
0xc3: {  	v19 =	vadd.f32 v14, v20;
	v18 =	vmax.f32 v0, v22;
	v8 =	vmin.f32 v8, v22;
	v0 =	vld [tilespmem:s31+$0xCCE0]  }
0xc4: {  	v20 =	vadd.f32 v22, v9;
	v12 =	vld [tilespmem:s31+$0xCC60];
	v9 =	vmax.f32 v18, v16;
	v8 =	vmin.f32 v8, v16  }
0xc5: {  	s0 =	sadd.s32 $0x400, s0;
	v18 =	vld [tilespmem:s31+$0xCC20];
	v19 =	vadd.f32 v15, v19;
	v9 =	vmax.f32 v9, v1;
	v8 =	vmin.f32 v8, v1  }
0xc6: {  	v21 =	vld [tilespmem:s31+$0xCC30]  }
0xc7: {  	v16 =	vadd.f32 v16, v20;
	v20 =	vld [tilespmem:s31+$0xCCA0]  }
0xc8: {  	v22 =	vld [tilespmem:s31+$0xCC70];
	v4 =	vmax.f32 v4, v14  }
0xc9: {  	v5 =	vmin.f32 v5, v14;
	v14 =	vld [tilespmem:s31+$0xCCB0];
	v4 =	vmax.f32 v4, v15  }
0xca: {  	v5 =	vmin.f32 v5, v15;
	v15 =	vadd.f32 v17, v19;
	v1 =	vadd.f32 v1, v16;
	v16 =	vld [tilespmem:s31+$0xCCF0];
	[tilespmem:s30+$0x13200] =	vst v9  }
0xcb: {  	v4 =	vmax.f32 v4, v17;
	v5 =	vmin.f32 v5, v17;
	[tilespmem:s30+$0x13240] =	vst v8;
	v10 =	vadd.f32 v18, v10  }
0xcc: {  	v4 =	vmax.f32 v4, v11;
	v5 =	vmin.f32 v5, v11;
	v8 =	vadd.f32 v11, v15;
	[tilespmem:s30+$0x132C0] =	vst v1  }
0xcd: {  	v9 =	vmul.f32 $4.999999890e-03, v1;
	v6 =	vmax.f32 v6, v18;
	[tilespmem:s30+$0x13210] =	vst v4;
	v10 =	vadd.f32 v12, v10  }
0xce: {  	v7 =	vmin.f32 v7, v18;
	[tilespmem:s30+$0x13250] =	vst v5;
	v1 =	vmax.f32 v6, v12;
	v4 =	vmul.f32 $4.999999890e-03, v8  }
0xcf: {  	v7 =	vmin.f32 v7, v12;
	[tilespmem:s30+$0x13280] =	vst v9;
	v9 =	vadd.f32 v21, v13;
	v6 =	vadd.f32 v20, v10  }
0xd0: {  	[tilespmem:s30+$0x132D0] =	vst v8;
	v1 =	vmax.f32 v1, v20;
	v5 =	vmin.f32 v7, v20  }
0xd1: {  	[tilespmem:s30+$0x13290] =	vst v4;
	v1 =	vmax.f32 v1, v0;
	v7 =	vadd.f32 v22, v9;
	v6 =	vadd.f32 v0, v6  }
0xd2: {  	v3 =	vmax.f32 v3, v21;
	v2 =	vmin.f32 v2, v21;
	[tilespmem:s30+$0x13220] =	vst v1;
	v0 =	vmin.f32 v5, v0  }
0xd3: {  	v4 =	vadd.f32 v14, v7;
	[tilespmem:s30+$0x13260] =	vst v0;
	v0 =	vmin.f32 v2, v22;
	v1 =	vmul.f32 $4.999999890e-03, v6  }
0xd4: {  	v3 =	vmax.f32 v3, v22;
	v0 =	vmin.f32 v0, v14;
	[tilespmem:s30+$0x132E0] =	vst v6  }
0xd5: {  	v2 =	vmax.f32 v3, v14;
	v3 =	vadd.f32 v16, v4;
	v0 =	vmin.f32 v0, v16;
	[tilespmem:s30+$0x132A0] =	vst v1  }
0xd6: {  	v1 =	vmax.f32 v2, v16;
	[tilespmem:s30+$0x13270] =	vst v0  }
0xd7: {  	[tilespmem:s30+$0x13230] =	vst v1;
	v1 =	vmul.f32 $4.999999890e-03, v3  }
0xd8: {  	[tilespmem:s30+$0x132F0] =	vst v3  }
0xd9: {  	s31 =	simm.s32 $0x0;
	[tilespmem:s30+$0x132B0] =	vst v1  }
0xda: {  	v0 =	vld [tilespmem:s31+$0xFE40]  }
0xdb: {  	v2 =	vld [tilespmem:s31+$0xFE00]  }
0xdc: {  	v14 =	vld [tilespmem:s31+$0xFE10]  }
0xdd: {  	v16 =	vld [tilespmem:s31+$0xFE80]  }
0xde: {  	v15 =	vld [tilespmem:s31+$0xFE50]  }
0xdf: {  	v13 =	vimm.f32 $0.0e+00;
	v10 =	vimm.f32 $0.0e+00;
	v1 =	vld [tilespmem:s31+$0xFEC0]  }
0xe0: {  	v5 =	vimm.f32 $+Inf;
	v4 =	vimm.f32 $-Inf;
	v6 =	vadd.f32 v2, v10  }
0xe1: {  	v11 =	vld [tilespmem:s31+$0xFED0];
	v3 =	vmax.f32 v4, v2;
	v2 =	vmin.f32 v5, v2;
	v7 =	vadd.f32 v14, v10  }
0xe2: {  	v17 =	vld [tilespmem:s31+$0xFE90];
	v3 =	vmax.f32 v3, v0;
	v2 =	vmin.f32 v2, v0;
	v20 =	vadd.f32 v0, v6  }
0xe3: {  	v12 =	vld [tilespmem:s31+$0xFE60];
	v3 =	vmax.f32 v3, v16;
	v2 =	vmin.f32 v2, v16;
	v19 =	vadd.f32 v15, v7  }
0xe4: {  	v18 =	vld [tilespmem:s31+$0xFE20];
	v6 =	vimm.f32 $-Inf;
	v7 =	vimm.f32 $+Inf;
	v9 =	vmax.f32 v3, v1  }
0xe5: {  	s0 =	simm.s32 $0x400;
	v0 =	vld [tilespmem:s31+$0xFEE0];
	v8 =	vmin.f32 v2, v1;
	v3 =	vimm.f32 $-Inf;
	v2 =	vimm.f32 $+Inf  }
.LBB2_9:
0xe6: {  	p1 =	sne.s32 s0, $0xC400;
	v4 =	vmax.f32 v4, v14;
	v5 =	vmin.f32 v5, v14;
	v21 =	vld [tilespmem:s31+$0xFE30];
	v14 =	vadd.f32 v16, v20  }
0xe7: {  	v4 =	vmax.f32 v4, v15;
	v5 =	vmin.f32 v5, v15;
	v15 =	vadd.f32 v17, v19;
	v16 =	vld [tilespmem:s31+$0xFEA0]  }
0xe8: {  	s1 =	sshra.s32 s0, $0x2;
	v19 =	vld [tilespmem:s31+$0xFE70];
	v4 =	vmax.f32 v4, v17;
	v5 =	vmin.f32 v5, v17;
	v17 =	vadd.f32 v1, v14  }
0xe9: {  	v1 =	vld [tilespmem:s1+$0xFEC0];
	v4 =	vmax.f32 v4, v11;
	v5 =	vmin.f32 v5, v11;
	v20 =	vadd.f32 v11, v15  }
0xea: {  	v6 =	vmax.f32 v6, v18;
	v7 =	vmin.f32 v7, v18;
	v10 =	vadd.f32 v18, v10;
	v11 =	vld [tilespmem:s31+$0xFEB0]  }
0xeb: {  	v13 =	vadd.f32 v21, v13;
	v6 =	vmax.f32 v6, v12;
	v7 =	vmin.f32 v7, v12;
	v18 =	vld [tilespmem:s31+$0xFEF0];
	s31 =	smov.u32 s1  }
0xec: {  	v22 =	vld [tilespmem:s31+$0xFE40];
	v10 =	vadd.f32 v12, v10;
	v6 =	vmax.f32 v6, v16;
	v7 =	vmin.f32 v7, v16  }
0xed: {  	v12 =	vld [tilespmem:s31+$0xFE00];
	v13 =	vadd.f32 v19, v13;
	v6 =	vmax.f32 v6, v0;
	v7 =	vmin.f32 v7, v0  }
0xee: {  	v3 =	vmax.f32 v3, v21;
	v2 =	vmin.f32 v2, v21;
	v14 =	vld [tilespmem:s31+$0xFE10];
	v10 =	vadd.f32 v16, v10  }
0xef: {  	v3 =	vmax.f32 v3, v19;
	v2 =	vmin.f32 v2, v19;
	v16 =	vld [tilespmem:s31+$0xFE80];
	v13 =	vadd.f32 v11, v13  }
0xf0: {  	v3 =	vmax.f32 v3, v11;
	v2 =	vmin.f32 v2, v11;
	v15 =	vld [tilespmem:s31+$0xFE50];
	v10 =	vadd.f32 v0, v10  }
.Ltmp5:
0xf1: {  	v3 =	vmax.f32 v3, v18;
	v2 =	vmin.f32 v2, v18;
	v11 =	vld [tilespmem:s31+$0xFED0];
	v13 =	vadd.f32 v18, v13;
	(pc) =	sbr.rel @p1 .LBB2_9-.Ltmp5, $4  }
0xf2: {  	v0 =	vmax.f32 v9, v12;
	v8 =	vmin.f32 v8, v12;
	v9 =	vadd.f32 v12, v17;
	v17 =	vld [tilespmem:s31+$0xFE90]  }
0xf3: {  	v19 =	vadd.f32 v14, v20;
	v18 =	vmax.f32 v0, v22;
	v8 =	vmin.f32 v8, v22;
	v0 =	vld [tilespmem:s31+$0xFEE0]  }
0xf4: {  	v20 =	vadd.f32 v22, v9;
	v12 =	vld [tilespmem:s31+$0xFE60];
	v9 =	vmax.f32 v18, v16;
	v8 =	vmin.f32 v8, v16  }
0xf5: {  	s0 =	sadd.s32 $0x400, s0;
	v18 =	vld [tilespmem:s31+$0xFE20];
	v19 =	vadd.f32 v15, v19;
	v9 =	vmax.f32 v9, v1;
	v8 =	vmin.f32 v8, v1  }
0xf6: {  	v21 =	vld [tilespmem:s31+$0xFE30]  }
0xf7: {  	v44 =	vld [tilespmem:s31+$0xFEA0]  }
0xf8: {  	v16 =	vadd.f32 v16, v20;
	v22 =	vld [tilespmem:s31+$0xFE70];
	v4 =	vmax.f32 v4, v14;
	v5 =	vmin.f32 v5, v14  }
0xf9: {  	v45 =	vld [tilespmem:s31+$0xFEB0];
	v4 =	vmax.f32 v4, v15;
	v5 =	vmin.f32 v5, v15;
	v46 =	vadd.f32 v17, v19  }
0xfa: {  	v47 =	vld [tilespmem:s31+$0xFEF0];
	[tilespmem:s30+$0x13300] =	vst v9;
	v1 =	vadd.f32 v1, v16;
	v4 =	vmax.f32 v4, v17;
	v5 =	vmin.f32 v5, v17  }
0xfb: {  	[tilespmem:s30+$0x13340] =	vst v8;
	v4 =	vmax.f32 v4, v11;
	v5 =	vmin.f32 v5, v11  }
0xfc: {  	v49 =	vadd.f32 v11, v46;
	v10 =	vadd.f32 v18, v10;
	v48 =	vmul.f32 $4.999999890e-03, v1;
	[tilespmem:s30+$0x133C0] =	vst v1  }
0xfd: {  	v6 =	vmax.f32 v6, v18;
	v7 =	vmin.f32 v7, v18;
	[tilespmem:s30+$0x13310] =	vst v4;
	v50 =	vadd.f32 v21, v13  }
0xfe: {  	[tilespmem:s30+$0x13350] =	vst v5;
	v51 =	vmax.f32 v6, v12;
	v53 =	vmul.f32 $4.999999890e-03, v49;
	v7 =	vmin.f32 v7, v12  }
0xff: {  	[tilespmem:s30+$0x133D0] =	vst v49;
	v3 =	vmax.f32 v3, v21;
	v2 =	vmin.f32 v2, v21;
	v10 =	vadd.f32 v12, v10  }
0x100: {  	[tilespmem:s30+$0x13380] =	vst v48;
	v1 =	vmax.f32 v51, v44;
	v54 =	vmin.f32 v7, v44;
	v3 =	vmax.f32 v3, v22  }
0x101: {  	v55 =	vadd.f32 v22, v50;
	[tilespmem:s30+$0x13390] =	vst v53;
	v1 =	vmax.f32 v1, v0;
	v52 =	vadd.f32 v44, v10  }
0x102: {  	v59 =	vmin.f32 v2, v22;
	v56 =	vmin.f32 v54, v0;
	v60 =	vmax.f32 v3, v45;
	[tilespmem:s30+$0x13320] =	vst v1  }
0x103: {  	[tilespmem:s30+$0x13360] =	vst v56;
	v62 =	vmax.f32 v60, v47;
	v57 =	vadd.f32 v45, v55;
	v6 =	vadd.f32 v0, v52  }
0x104: {  	[tilespmem:s30+$0x13330] =	vst v62;
	v0 =	vmin.f32 v59, v45  }
.Ltmp6:
0x105: {  	v61 =	vadd.f32 v47, v57;
	v0 =	vmin.f32 v0, v47;
	[tilespmem:s30+$0x133E0] =	vst v6;
	(pc) =	sbr.rel @p0 .LBB2_12-.Ltmp6, $4  }
0x106: {  	v58 =	vmul.f32 $4.999999890e-03, v6;
	[tilespmem:s30+$0x13370] =	vst v0  }
0x107: {  	v63 =	vmul.f32 $4.999999890e-03, v61;
	[tilespmem:s30+$0x133F0] =	vst v61  }
0x108: {  	[tilespmem:s30+$0x133A0] =	vst v58  }
0x109: {  	[tilespmem:s30+$0x133B0] =	vst v63  }
0x10a: {  	s0 =	smul.u32 $0xD00, s29;
	_ =	sdelay $0x1  }
0x10b: {  	s0 =	sshra.s32 s0, $0x2  }
0x10c: {  	s1 =	sadd.s32 $0x4E0, s0  }
0x10d: {  	[tilespmem:s17], [sflag:$0x2] =	stream.indirect.gather [hbm4b:s3+s8], $0x40, s1, s8, $0xb8;
	[tilespmem:$0x1B000] =	vst v63  }
0x10e: {  	s30 =	sadd.s32 $0x548, s0  }
0x10f: {  	[tilespmem:s19], [sflag:$0x2] =	stream.indirect.gather [hbm4b:s3+s8], $0x40, s30, s8, $0xb8;
	[tilespmem:$0x1B000] =	vst v63  }
.Ltmp7:
0x110: {  	_ = 	snop;
	(pc) =	sbr.rel .LBB2_2-.Ltmp7, $4  }
0x111: {  	s31 =	sadd.s32 $0x5B0, s0  }
0x112: {  	[tilespmem:s21], [sflag:$0x2] =	stream.indirect.gather [hbm4b:s3+s8], $0x40, s31, s8, $0xb8;
	[tilespmem:$0x1B000] =	vst v63  }
0x113: {  	s29 =	sadd.s32 $0x1, s29;
	s0 =	sadd.s32 $0x618, s0  }
0x114: {  	[tilespmem:s23], [sflag:$0x2] =	stream.indirect.gather [hbm4b:s3+s8], $0x40, s0, s8, $0xb8;
	[tilespmem:$0x1B000] =	vst v63  }
.LBB2_13:
0x115: {  	_ =	sfence.sel $0x180000  }
0x116: {  	[bflag:$0x0] =	sbarrier.arrive $0xFFFF  }
0x117: {  	_ =	strace $0x90000047  }
0x118: {  	s0 =	stileid.u32;
	[bflag:$0x2] =	sbarrier.arrive $0xFFFF  }
0x119: {  	p0 =	sne.s32 s0, $0x0;
	s0 =	rddreg [dreg:$0x2]  }
0x11a: {  	s0 =	sadd.s32 @!p0 $0x100000, s0  }
0x11b: {  	[sflag:s0] =	ssyncadd.tile.s32 @!p0 $0x1;
	_ =	shalt  }
.Lfunc_end2:
_tile_overlayer_lowered:
.L_overlay_start_2:
0x11c: {  	(tag) =	ssettag $0x2  }
0x11d: {  	s0 =	rddreg [dreg:$0x0];
	s2 =	stileid.u32  }
0x11e: {  	s1 =	rddreg [dreg:$0x1];
	p0 =	sne.s32 s2, $0x0  }
0x11f: {  	s3 =	rddreg [dreg:$0x2];
	[bflag:$0x3] =	sbarrier.arrive $0xFFFF;
	s2 =	simm.s32 @!p0 $0x1C03  }
0x120: {  	[timem:s3], [sflag:s2] =	dma.local @!p0 [hbm:s0], s1  }
0x121: {  	s0 =	simm.s32 @!p0 $0x3  }
0x122: {  	_ =	swait.ge @!p0 [sflag:s0], s1  }
0x123: {  	s1 =	ssub.s32 @!p0 $0x0, s1;
	[sflag:s0] =	ssyncset.done @!p0 $0x0  }
0x124: {  	[sflag:s0] =	ssyncadd.s32 @!p0 s1  }
0x125: {  	[bflag:$0x3] =	sbarrier.arrive $0xFFFF  }
0x126: {  	_ =	shalt  }

</sc_bundles>
